<compile_context>
chip_gen: v7x
topology: tpu7x:2x2x1
jax: 0.10.2.dev20260603
libtpu: 0.0.44.dev20260713+nightly
codegen_flags: <defaults>
</compile_context>

<pallas_src>
import functools

import jax
import jax.numpy as jnp
from jax import lax
from jax.experimental import pallas as pl
from jax.experimental.pallas import tpu as pltpu
from jax.experimental.pallas import tpu_sc as plsc

_N = 10000
_E = 320000
_D_IN = 128
_HID = 128
_OUT = 64

_NC = 2
_NS = 16
_NW = _NC * _NS
_PER_W = _E // _NW
_CH = 80
_NCHUNK = _PER_W // _CH
_RPT = _N // _NS
_WCH = 25
_DEGW = 16

_BR = 2000
_GRID = _N // _BR

_HIGH = lax.Precision.HIGHEST


def _dot(a, b):
    return lax.dot_general(a, b, (((1,), (0,)), ((), ())),
                           precision=_HIGH, preferred_element_type=jnp.float32)



def _make_sc_agg(d, with_deg):
    mesh = plsc.VectorSubcoreMesh(core_axis_name="c", subcore_axis_name="s")
    cparams = pltpu.CompilerParams(use_tc_tiling_on_sc=False)
    out_type = [jax.ShapeDtypeStruct((_NC, _N, d), jnp.float32)]
    scratch = [
        pltpu.VMEM((_NCHUNK, _CH), jnp.int32),
        pltpu.VMEM((_NCHUNK, _CH), jnp.int32),
        pltpu.VMEM((_CH, d), jnp.float32),
        pltpu.VMEM((_WCH, d), jnp.float32),
        pltpu.VMEM_SHARED((_N, d), jnp.float32),
    ]
    if with_deg:
        out_type.append(jax.ShapeDtypeStruct((_NC, _N, _DEGW), jnp.float32))
        scratch += [
            pltpu.VMEM((_CH, _DEGW), jnp.float32),
            pltpu.VMEM((_WCH, _DEGW), jnp.float32),
            pltpu.VMEM_SHARED((_N, _DEGW), jnp.float32),
        ]

    if with_deg:
        @functools.partial(pl.kernel, mesh=mesh, out_type=out_type,
                           scratch_types=scratch, compiler_params=cparams)
        def k(feat_hbm, src_hbm, dst_hbm, zf_hbm, od_hbm, zd_hbm,
              acc_out, deg_out,
              srcv, dstv, rows, wbuf, acc_sh, onesv, dwbuf, deg_sh):
            c = lax.axis_index("c")
            s = lax.axis_index("s")
            w = c * _NS + s
            base = s * _RPT
            pltpu.sync_copy(src_hbm.at[w], srcv)
            pltpu.sync_copy(dst_hbm.at[w], dstv)
            pltpu.sync_copy(zf_hbm, wbuf)
            pltpu.sync_copy(od_hbm, onesv)
            pltpu.sync_copy(zd_hbm, dwbuf)

            @pl.loop(0, _RPT, step=_WCH)
            def _(r):
                pltpu.sync_copy(wbuf, acc_sh.at[pl.ds(base + r, _WCH)])
                pltpu.sync_copy(dwbuf, deg_sh.at[pl.ds(base + r, _WCH)])

            plsc.subcore_barrier()

            @pl.loop(0, _NCHUNK)
            def _(j):
                pltpu.sync_copy(feat_hbm.at[srcv.at[j]], rows)
                pltpu.sync_copy(rows, acc_sh.at[dstv.at[j]], add=True)
                pltpu.sync_copy(onesv, deg_sh.at[dstv.at[j]], add=True)

            plsc.subcore_barrier()

            @pl.loop(0, _RPT, step=_WCH)
            def _(r):
                pltpu.sync_copy(acc_sh.at[pl.ds(base + r, _WCH)], wbuf)
                pltpu.sync_copy(wbuf, acc_out.at[c, pl.ds(base + r, _WCH)])
                pltpu.sync_copy(deg_sh.at[pl.ds(base + r, _WCH)], dwbuf)
                pltpu.sync_copy(dwbuf, deg_out.at[c, pl.ds(base + r, _WCH)])
        return k

    @functools.partial(pl.kernel, mesh=mesh, out_type=out_type[0],
                       scratch_types=scratch, compiler_params=cparams)
    def k2(feat_hbm, src_hbm, dst_hbm, zf_hbm,
           acc_out,
           srcv, dstv, rows, wbuf, acc_sh):
        c = lax.axis_index("c")
        s = lax.axis_index("s")
        w = c * _NS + s
        base = s * _RPT
        pltpu.sync_copy(src_hbm.at[w], srcv)
        pltpu.sync_copy(dst_hbm.at[w], dstv)
        pltpu.sync_copy(zf_hbm, wbuf)

        @pl.loop(0, _RPT, step=_WCH)
        def _(r):
            pltpu.sync_copy(wbuf, acc_sh.at[pl.ds(base + r, _WCH)])

        plsc.subcore_barrier()

        @pl.loop(0, _NCHUNK)
        def _(j):
            pltpu.sync_copy(feat_hbm.at[srcv.at[j]], rows)
            pltpu.sync_copy(rows, acc_sh.at[dstv.at[j]], add=True)

        plsc.subcore_barrier()

        @pl.loop(0, _RPT, step=_WCH)
        def _(r):
            pltpu.sync_copy(acc_sh.at[pl.ds(base + r, _WCH)], wbuf)
            pltpu.sync_copy(wbuf, acc_out.at[c, pl.ds(base + r, _WCH)])
    return k2


_sc_agg_deg = _make_sc_agg(_HID, True)
_sc_agg2 = _make_sc_agg(_OUT, False)



def _in_mm_body(x_ref, w1l_ref, w1r_ref, xl_ref, xr_ref):
    xv = x_ref[...]
    xl_ref[...] = _dot(xv, w1l_ref[...])
    xr_ref[...] = _dot(xv, w1r_ref[...])


def _mid_body(p_ref, dp_ref, xr_ref, b1_ref, w2l_ref, w2r_ref,
              hl_ref, hr_ref):
    dpv = dp_ref[...]
    rdeg = 1.0 / jnp.maximum(dpv[0, :, 0:1] + dpv[1, :, 0:1], 1.0)
    pv = p_ref[...]
    mean = (pv[0] + pv[1]) * rdeg
    h = jnp.maximum(mean + b1_ref[...] + xr_ref[...], 0.0)
    hl_ref[...] = _dot(h, w2l_ref[...])
    hr_ref[...] = _dot(h, w2r_ref[...])


def _final_body(q_ref, dp_ref, hr_ref, b2_ref, o_ref):
    dpv = dp_ref[...]
    rdeg = 1.0 / jnp.maximum(dpv[0, :, 0:1] + dpv[1, :, 0:1], 1.0)
    qv = q_ref[...]
    o_ref[...] = (qv[0] + qv[1]) * rdeg + b2_ref[...] + hr_ref[...]


def _in_mm(x, W1l, W1r):
    return pl.pallas_call(
        _in_mm_body,
        grid=(_GRID,),
        in_specs=[
            pl.BlockSpec((_BR, _D_IN), lambda i: (i, 0)),
            pl.BlockSpec((_D_IN, _HID), lambda i: (0, 0)),
            pl.BlockSpec((_D_IN, _HID), lambda i: (0, 0)),
        ],
        out_specs=[
            pl.BlockSpec((_BR, _HID), lambda i: (i, 0)),
            pl.BlockSpec((_BR, _HID), lambda i: (i, 0)),
        ],
        out_shape=[
            jax.ShapeDtypeStruct((_N, _HID), jnp.float32),
            jax.ShapeDtypeStruct((_N, _HID), jnp.float32),
        ],
    )(x, W1l, W1r)


def _mid(p, dp, xr, b1, W2l, W2r):
    return pl.pallas_call(
        _mid_body,
        grid=(_GRID,),
        in_specs=[
            pl.BlockSpec((_NC, _BR, _HID), lambda i: (0, i, 0)),
            pl.BlockSpec((_NC, _BR, _DEGW), lambda i: (0, i, 0)),
            pl.BlockSpec((_BR, _HID), lambda i: (i, 0)),
            pl.BlockSpec((1, _HID), lambda i: (0, 0)),
            pl.BlockSpec((_HID, _OUT), lambda i: (0, 0)),
            pl.BlockSpec((_HID, _OUT), lambda i: (0, 0)),
        ],
        out_specs=[
            pl.BlockSpec((_BR, _OUT), lambda i: (i, 0)),
            pl.BlockSpec((_BR, _OUT), lambda i: (i, 0)),
        ],
        out_shape=[
            jax.ShapeDtypeStruct((_N, _OUT), jnp.float32),
            jax.ShapeDtypeStruct((_N, _OUT), jnp.float32),
        ],
    )(p, dp, xr, b1, W2l, W2r)


def _final(q, dp, hr, b2):
    return pl.pallas_call(
        _final_body,
        grid=(_GRID,),
        in_specs=[
            pl.BlockSpec((_NC, _BR, _OUT), lambda i: (0, i, 0)),
            pl.BlockSpec((_NC, _BR, _DEGW), lambda i: (0, i, 0)),
            pl.BlockSpec((_BR, _OUT), lambda i: (i, 0)),
            pl.BlockSpec((1, _OUT), lambda i: (0, 0)),
        ],
        out_specs=pl.BlockSpec((_BR, _OUT), lambda i: (i, 0)),
        out_shape=jax.ShapeDtypeStruct((_N, _OUT), jnp.float32),
    )(q, dp, hr, b2)



def kernel(x, edge_index, W1l, b1, W1r, W2l, b2, W2r):
    src_w = edge_index[0].reshape(_NW, _NCHUNK, _CH)
    dst_w = edge_index[1].reshape(_NW, _NCHUNK, _CH)

    zf1 = jnp.zeros((_WCH, _HID), jnp.float32)
    zf2 = jnp.zeros((_WCH, _OUT), jnp.float32)
    od = jnp.ones((_CH, _DEGW), jnp.float32)
    zd = jnp.zeros((_WCH, _DEGW), jnp.float32)

    xl, xr = _in_mm(x, W1l, W1r)
    p, dp = _sc_agg_deg(xl, src_w, dst_w, zf1, od, zd)
    hl, hr = _mid(p, dp, xr, b1.reshape(1, _HID), W2l, W2r)
    q = _sc_agg2(hl, src_w, dst_w, zf2)
    return _final(q, dp, hr, b2.reshape(1, _OUT))

# --- scband reference (transcript-rebuilt; emitter-appended) ---
"""Pipeline reference for scband-baseline-graph-sage-28346784153656 (READ-ONLY COPY).

The authoritative reference and input builder live on the scoring server;
editing this copy changes nothing except your own understanding.
"""

import jax, jax.numpy as jnp
import numpy as np

N = 10000
E = 320000
D_IN = 128
HID = 128
OUT = 64


def sage_conv(x, edge_index, Wl, bl, Wr):
    # PyG-style SAGEConv with mean aggregation:
    # out = lin_l(mean_{j in N(i)} x_j) + lin_r(x_i); lin_l has bias, lin_r does not.
    src = edge_index[0]
    dst = edge_index[1]
    msgs = jnp.take(x, src, axis=0)
    summed = jax.ops.segment_sum(msgs, dst, num_segments=x.shape[0])
    deg = jax.ops.segment_sum(jnp.ones((edge_index.shape[1],), x.dtype), dst, num_segments=x.shape[0])
    mean = summed / jnp.clip(deg, 1.0, None)[:, None]
    return mean @ Wl + bl + x @ Wr


def setup_inputs(seed: int = 0) -> dict:
    key = jax.random.key(seed)
    ks = jax.random.split(key, 8)
    x = jax.random.normal(ks[0], (N, D_IN), dtype=jnp.float32)
    edge_index = jax.random.randint(ks[1], (2, E), 0, N, dtype=jnp.int32)
    s1 = 1.0 / np.sqrt(D_IN)
    s2 = 1.0 / np.sqrt(HID)
    W1l = jax.random.normal(ks[2], (D_IN, HID), dtype=jnp.float32) * s1
    b1 = jnp.zeros((HID,), dtype=jnp.float32)
    W1r = jax.random.normal(ks[3], (D_IN, HID), dtype=jnp.float32) * s1
    W2l = jax.random.normal(ks[4], (HID, OUT), dtype=jnp.float32) * s2
    b2 = jnp.zeros((OUT,), dtype=jnp.float32)
    W2r = jax.random.normal(ks[5], (HID, OUT), dtype=jnp.float32) * s2
    return {"x": x, "edge_index": edge_index, "W1l": W1l, "b1": b1, "W1r": W1r,
            "W2l": W2l, "b2": b2, "W2r": W2r}


def reference(x, edge_index, W1l, b1, W1r, W2l, b2, W2r):
    h = sage_conv(x, edge_index, W1l, b1, W1r)
    h = jax.nn.relu(h)
    out = sage_conv(h, edge_index, W2l, b2, W2r)
    return out

if __name__ == "__main__":
    import jax
    _d = setup_inputs()
    print(jax.jit(kernel)(*tuple(_d.values())))

</pallas_src>

<mosaic_0001>
#map = affine_map<(d0, d1) -> (0, 0)>
#map1 = affine_map<(d0, d1) -> (0, 0, 0)>
module attributes {stable_mosaic.version = 14 : i64} {
  func.func @k2(%arg0: i32, %arg1: i32, %arg2: memref<10000x64xf32, #tpu.memory_space<hbm>>, %arg3: memref<32x125x80xi32, #tpu.memory_space<hbm>>, %arg4: memref<32x125x80xi32, #tpu.memory_space<hbm>>, %arg5: memref<25x64xf32, #tpu.memory_space<hbm>>, %arg6: memref<2x10000x64xf32, #tpu.memory_space<hbm>>, %arg7: memref<125x80xi32, #tpu.memory_space<vmem>>, %arg8: memref<125x80xi32, #tpu.memory_space<vmem>>, %arg9: memref<80x64xf32, #tpu.memory_space<vmem>>, %arg10: memref<25x64xf32, #tpu.memory_space<vmem>>, %arg11: memref<10000x64xf32, #tpu.memory_space<vmem_shared>>) attributes {dimension_semantics = [#tpu.dimension_semantics<core_parallel>, #tpu.dimension_semantics<subcore_parallel>], iteration_bounds = array<i64: 2, 16>, scalar_prefetch = 0 : i64, scratch_operands = 5 : i64, tpu.core_type = #tpu.core_type<sc_vector_subcore>, window_params = [{transform_indices = #map}, {transform_indices = #map1}, {transform_indices = #map1}, {transform_indices = #map}, {transform_indices = #map1}]} {
    %mul3A = arith.constant 16 : i32
    %mul3A_0 = arith.muli %arg0, %mul3A : i32
    %add3A = arith.addi %mul3A_0, %arg1 : i32
    %mul3A_1 = arith.constant 625 : i32
    %mul3A_2 = arith.muli %arg1, %mul3A_1 : i32
    "tpu.region"() ({
      %run_scoped3A = tpu.sem_alloc : memref<!tpu.dma_semaphore, #tpu.memory_space<semaphore_mem>>
      %dma_start3A = arith.constant 0 : i32
      %dma_start3A_18 = arith.constant 0 : i32
      %dma_start3A_19 = tpu.memref_slice %arg3[%add3A, %dma_start3A, %dma_start3A_18] : memref<32x125x80xi32, #tpu.memory_space<hbm>> -> memref<1x125x80xi32, #tpu.memory_space<hbm>>
      %dma_start3A_20 = tpu.memref_squeeze %dma_start3A_19 : memref<1x125x80xi32, #tpu.memory_space<hbm>> -> memref<125x80xi32, #tpu.memory_space<hbm>>
      %dma_start3A_21 = arith.constant 0 : i32
      %dma_start3A_22 = arith.constant 0 : i32
      %dma_start3A_23 = tpu.memref_slice %arg3[%add3A, %dma_start3A_21, %dma_start3A_22] : memref<32x125x80xi32, #tpu.memory_space<hbm>> -> memref<1x125x80xi32, #tpu.memory_space<hbm>>
      %dma_start3A_24 = tpu.memref_squeeze %dma_start3A_23 : memref<1x125x80xi32, #tpu.memory_space<hbm>> -> memref<125x80xi32, #tpu.memory_space<hbm>>
      tpu.enqueue_dma source(%dma_start3A_24 : memref<125x80xi32, #tpu.memory_space<hbm>>) target(%arg7 : memref<125x80xi32, #tpu.memory_space<vmem>>) target_semaphore(%run_scoped3A : memref<!tpu.dma_semaphore, #tpu.memory_space<semaphore_mem>>)
      %dma_wait3A = arith.constant 0 : i32
      %dma_wait3A_25 = arith.constant 0 : i32
      %dma_wait3A_26 = tpu.memref_slice %arg3[%add3A, %dma_wait3A, %dma_wait3A_25] : memref<32x125x80xi32, #tpu.memory_space<hbm>> -> memref<1x125x80xi32, #tpu.memory_space<hbm>>
      %dma_wait3A_27 = tpu.memref_squeeze %dma_wait3A_26 : memref<1x125x80xi32, #tpu.memory_space<hbm>> -> memref<125x80xi32, #tpu.memory_space<hbm>>
      %dma_wait3A_28 = arith.constant 0 : i32
      %dma_wait3A_29 = arith.constant 0 : i32
      %dma_wait3A_30 = tpu.memref_slice %arg3[%add3A, %dma_wait3A_28, %dma_wait3A_29] : memref<32x125x80xi32, #tpu.memory_space<hbm>> -> memref<1x125x80xi32, #tpu.memory_space<hbm>>
      %dma_wait3A_31 = tpu.memref_squeeze %dma_wait3A_30 : memref<1x125x80xi32, #tpu.memory_space<hbm>> -> memref<125x80xi32, #tpu.memory_space<hbm>>
      tpu.wait_dma2 semaphore(%run_scoped3A : memref<!tpu.dma_semaphore, #tpu.memory_space<semaphore_mem>>) src(%dma_wait3A_31 : memref<125x80xi32, #tpu.memory_space<hbm>>) dst(%arg7 : memref<125x80xi32, #tpu.memory_space<vmem>>)
      tpu.yield
    }) : () -> ()
    "tpu.region"() ({
      %run_scoped3A = tpu.sem_alloc : memref<!tpu.dma_semaphore, #tpu.memory_space<semaphore_mem>>
      %dma_start3A = arith.constant 0 : i32
      %dma_start3A_18 = arith.constant 0 : i32
      %dma_start3A_19 = tpu.memref_slice %arg4[%add3A, %dma_start3A, %dma_start3A_18] : memref<32x125x80xi32, #tpu.memory_space<hbm>> -> memref<1x125x80xi32, #tpu.memory_space<hbm>>
      %dma_start3A_20 = tpu.memref_squeeze %dma_start3A_19 : memref<1x125x80xi32, #tpu.memory_space<hbm>> -> memref<125x80xi32, #tpu.memory_space<hbm>>
      %dma_start3A_21 = arith.constant 0 : i32
      %dma_start3A_22 = arith.constant 0 : i32
      %dma_start3A_23 = tpu.memref_slice %arg4[%add3A, %dma_start3A_21, %dma_start3A_22] : memref<32x125x80xi32, #tpu.memory_space<hbm>> -> memref<1x125x80xi32, #tpu.memory_space<hbm>>
      %dma_start3A_24 = tpu.memref_squeeze %dma_start3A_23 : memref<1x125x80xi32, #tpu.memory_space<hbm>> -> memref<125x80xi32, #tpu.memory_space<hbm>>
      tpu.enqueue_dma source(%dma_start3A_24 : memref<125x80xi32, #tpu.memory_space<hbm>>) target(%arg8 : memref<125x80xi32, #tpu.memory_space<vmem>>) target_semaphore(%run_scoped3A : memref<!tpu.dma_semaphore, #tpu.memory_space<semaphore_mem>>)
      %dma_wait3A = arith.constant 0 : i32
      %dma_wait3A_25 = arith.constant 0 : i32
      %dma_wait3A_26 = tpu.memref_slice %arg4[%add3A, %dma_wait3A, %dma_wait3A_25] : memref<32x125x80xi32, #tpu.memory_space<hbm>> -> memref<1x125x80xi32, #tpu.memory_space<hbm>>
      %dma_wait3A_27 = tpu.memref_squeeze %dma_wait3A_26 : memref<1x125x80xi32, #tpu.memory_space<hbm>> -> memref<125x80xi32, #tpu.memory_space<hbm>>
      %dma_wait3A_28 = arith.constant 0 : i32
      %dma_wait3A_29 = arith.constant 0 : i32
      %dma_wait3A_30 = tpu.memref_slice %arg4[%add3A, %dma_wait3A_28, %dma_wait3A_29] : memref<32x125x80xi32, #tpu.memory_space<hbm>> -> memref<1x125x80xi32, #tpu.memory_space<hbm>>
      %dma_wait3A_31 = tpu.memref_squeeze %dma_wait3A_30 : memref<1x125x80xi32, #tpu.memory_space<hbm>> -> memref<125x80xi32, #tpu.memory_space<hbm>>
      tpu.wait_dma2 semaphore(%run_scoped3A : memref<!tpu.dma_semaphore, #tpu.memory_space<semaphore_mem>>) src(%dma_wait3A_31 : memref<125x80xi32, #tpu.memory_space<hbm>>) dst(%arg8 : memref<125x80xi32, #tpu.memory_space<vmem>>)
      tpu.yield
    }) : () -> ()
    "tpu.region"() ({
      %run_scoped3A = tpu.sem_alloc : memref<!tpu.dma_semaphore, #tpu.memory_space<semaphore_mem>>
      tpu.enqueue_dma source(%arg5 : memref<25x64xf32, #tpu.memory_space<hbm>>) target(%arg10 : memref<25x64xf32, #tpu.memory_space<vmem>>) target_semaphore(%run_scoped3A : memref<!tpu.dma_semaphore, #tpu.memory_space<semaphore_mem>>)
      tpu.wait_dma2 semaphore(%run_scoped3A : memref<!tpu.dma_semaphore, #tpu.memory_space<semaphore_mem>>) src(%arg5 : memref<25x64xf32, #tpu.memory_space<hbm>>) dst(%arg10 : memref<25x64xf32, #tpu.memory_space<vmem>>)
      tpu.yield
    }) : () -> ()
    %scan3A = arith.constant 0 : i32
    %scan3A_3 = arith.constant 25 : i32
    %scan3A_4 = arith.addi %scan3A, %scan3A_3 : i32
    %scan3A_5 = arith.constant 1 : i32
    scf.for %scan3A_18 = %scan3A to %scan3A_4 step %scan3A_5  : i32 {
      %mul3A_19 = arith.constant 25 : i32
      %mul3A_20 = arith.muli %scan3A_18, %mul3A_19 : i32
      %add3A_21 = arith.constant 0 : i32
      %add3A_22 = arith.addi %add3A_21, %mul3A_20 : i32
      %add3A_23 = arith.addi %mul3A_2, %add3A_22 : i32
      "tpu.region"() ({
        %run_scoped3A = tpu.sem_alloc : memref<!tpu.dma_semaphore, #tpu.memory_space<semaphore_mem>>
        %dma_start3A = arith.constant 0 : i32
        %dma_start3A_24 = tpu.memref_slice %arg11[%add3A_23, %dma_start3A] : memref<10000x64xf32, #tpu.memory_space<vmem_shared>> -> memref<25x64xf32, #tpu.memory_space<vmem_shared>>
        %dma_start3A_25 = arith.constant 0 : i32
        %dma_start3A_26 = tpu.memref_slice %arg11[%add3A_23, %dma_start3A_25] : memref<10000x64xf32, #tpu.memory_space<vmem_shared>> -> memref<25x64xf32, #tpu.memory_space<vmem_shared>>
        tpu.enqueue_dma source(%arg10 : memref<25x64xf32, #tpu.memory_space<vmem>>) target(%dma_start3A_26 : memref<25x64xf32, #tpu.memory_space<vmem_shared>>) target_semaphore(%run_scoped3A : memref<!tpu.dma_semaphore, #tpu.memory_space<semaphore_mem>>)
        %dma_wait3A = arith.constant 0 : i32
        %dma_wait3A_27 = tpu.memref_slice %arg11[%add3A_23, %dma_wait3A] : memref<10000x64xf32, #tpu.memory_space<vmem_shared>> -> memref<25x64xf32, #tpu.memory_space<vmem_shared>>
        %dma_wait3A_28 = arith.constant 0 : i32
        %dma_wait3A_29 = tpu.memref_slice %arg11[%add3A_23, %dma_wait3A_28] : memref<10000x64xf32, #tpu.memory_space<vmem_shared>> -> memref<25x64xf32, #tpu.memory_space<vmem_shared>>
        tpu.wait_dma2 semaphore(%run_scoped3A : memref<!tpu.dma_semaphore, #tpu.memory_space<semaphore_mem>>) src(%arg10 : memref<25x64xf32, #tpu.memory_space<vmem>>) dst(%dma_wait3A_29 : memref<25x64xf32, #tpu.memory_space<vmem_shared>>)
        tpu.yield
      }) : () -> ()
    }
    %scan3A_6 = arith.constant 25 : i32
    %barrier3A = arith.constant 0 : index
    tpu.barrier barrier_id(%barrier3A)
    %scan3A_7 = arith.constant 0 : i32
    %scan3A_8 = arith.constant 125 : i32
    %scan3A_9 = arith.addi %scan3A_7, %scan3A_8 : i32
    %scan3A_10 = arith.constant 1 : i32
    scf.for %scan3A_18 = %scan3A_7 to %scan3A_9 step %scan3A_10  : i32 {
      %mul3A_19 = arith.constant 1 : i32
      %mul3A_20 = arith.muli %scan3A_18, %mul3A_19 : i32
      %add3A_21 = arith.constant 0 : i32
      %add3A_22 = arith.addi %add3A_21, %mul3A_20 : i32
      "tpu.region"() ({
        %run_scoped3A = tpu.sem_alloc : memref<!tpu.dma_semaphore, #tpu.memory_space<semaphore_mem>>
        %dma_start3A = arith.constant 0 : i32
        %dma_start3A_23 = tpu.memref_slice %arg7[%add3A_22, %dma_start3A] : memref<125x80xi32, #tpu.memory_space<vmem>> -> memref<1x80xi32, #tpu.memory_space<vmem>>
        %dma_start3A_24 = tpu.memref_squeeze %dma_start3A_23 : memref<1x80xi32, #tpu.memory_space<vmem>> -> memref<80xi32, #tpu.memory_space<vmem>>
        %dma_start3A_25 = arith.constant 0 : i32
        %dma_start3A_26 = arith.constant 0 : i32
        %dma_start3A_27 = tpu.memref_slice %arg2[%dma_start3A_25, %dma_start3A_26] : memref<10000x64xf32, #tpu.memory_space<hbm>> -> memref<10000x64xf32, #tpu.memory_space<hbm>>
        tpu.enqueue_indirect_dma source(%dma_start3A_27 : memref<10000x64xf32, #tpu.memory_space<hbm>>) target(%arg9 : memref<80x64xf32, #tpu.memory_space<vmem>>) offsets(%dma_start3A_24 : memref<80xi32, #tpu.memory_space<vmem>>) semaphore(%run_scoped3A : memref<!tpu.dma_semaphore, #tpu.memory_space<semaphore_mem>>)
        %dma_wait3A = arith.constant 0 : i32
        %dma_wait3A_28 = tpu.memref_slice %arg7[%add3A_22, %dma_wait3A] : memref<125x80xi32, #tpu.memory_space<vmem>> -> memref<1x80xi32, #tpu.memory_space<vmem>>
        %dma_wait3A_29 = tpu.memref_squeeze %dma_wait3A_28 : memref<1x80xi32, #tpu.memory_space<vmem>> -> memref<80xi32, #tpu.memory_space<vmem>>
        %dma_wait3A_30 = arith.constant 0 : i32
        %dma_wait3A_31 = arith.constant 0 : i32
        %dma_wait3A_32 = tpu.memref_slice %arg2[%dma_wait3A_30, %dma_wait3A_31] : memref<10000x64xf32, #tpu.memory_space<hbm>> -> memref<10000x64xf32, #tpu.memory_space<hbm>>
        tpu.wait_indirect_dma semaphore(%run_scoped3A : memref<!tpu.dma_semaphore, #tpu.memory_space<semaphore_mem>>) src(%dma_wait3A_32 : memref<10000x64xf32, #tpu.memory_space<hbm>>) dst(%arg9 : memref<80x64xf32, #tpu.memory_space<vmem>>)
        tpu.yield
      }) : () -> ()
      "tpu.region"() ({
        %run_scoped3A = tpu.sem_alloc : memref<!tpu.dma_semaphore, #tpu.memory_space<semaphore_mem>>
        %dma_start3A = arith.constant 0 : i32
        %dma_start3A_23 = tpu.memref_slice %arg8[%add3A_22, %dma_start3A] : memref<125x80xi32, #tpu.memory_space<vmem>> -> memref<1x80xi32, #tpu.memory_space<vmem>>
        %dma_start3A_24 = tpu.memref_squeeze %dma_start3A_23 : memref<1x80xi32, #tpu.memory_space<vmem>> -> memref<80xi32, #tpu.memory_space<vmem>>
        %dma_start3A_25 = arith.constant 0 : i32
        %dma_start3A_26 = arith.constant 0 : i32
        %dma_start3A_27 = tpu.memref_slice %arg11[%dma_start3A_25, %dma_start3A_26] : memref<10000x64xf32, #tpu.memory_space<vmem_shared>> -> memref<10000x64xf32, #tpu.memory_space<vmem_shared>>
        tpu.enqueue_indirect_dma source(%arg9 : memref<80x64xf32, #tpu.memory_space<vmem>>) target(%dma_start3A_27 : memref<10000x64xf32, #tpu.memory_space<vmem_shared>>) offsets(%dma_start3A_24 : memref<80xi32, #tpu.memory_space<vmem>>) semaphore(%run_scoped3A : memref<!tpu.dma_semaphore, #tpu.memory_space<semaphore_mem>>) {add = true}
        %dma_wait3A = arith.constant 0 : i32
        %dma_wait3A_28 = tpu.memref_slice %arg8[%add3A_22, %dma_wait3A] : memref<125x80xi32, #tpu.memory_space<vmem>> -> memref<1x80xi32, #tpu.memory_space<vmem>>
        %dma_wait3A_29 = tpu.memref_squeeze %dma_wait3A_28 : memref<1x80xi32, #tpu.memory_space<vmem>> -> memref<80xi32, #tpu.memory_space<vmem>>
        %dma_wait3A_30 = arith.constant 0 : i32
        %dma_wait3A_31 = arith.constant 0 : i32
        %dma_wait3A_32 = tpu.memref_slice %arg11[%dma_wait3A_30, %dma_wait3A_31] : memref<10000x64xf32, #tpu.memory_space<vmem_shared>> -> memref<10000x64xf32, #tpu.memory_space<vmem_shared>>
        tpu.wait_indirect_dma semaphore(%run_scoped3A : memref<!tpu.dma_semaphore, #tpu.memory_space<semaphore_mem>>) src(%arg9 : memref<80x64xf32, #tpu.memory_space<vmem>>) dst(%dma_wait3A_32 : memref<10000x64xf32, #tpu.memory_space<vmem_shared>>)
        tpu.yield
      }) : () -> ()
    }
    %scan3A_11 = arith.constant 125 : i32
    %barrier3A_12 = arith.constant 0 : index
    tpu.barrier barrier_id(%barrier3A_12)
    %scan3A_13 = arith.constant 0 : i32
    %scan3A_14 = arith.constant 25 : i32
    %scan3A_15 = arith.addi %scan3A_13, %scan3A_14 : i32
    %scan3A_16 = arith.constant 1 : i32
    scf.for %scan3A_18 = %scan3A_13 to %scan3A_15 step %scan3A_16  : i32 {
      %mul3A_19 = arith.constant 25 : i32
      %mul3A_20 = arith.muli %scan3A_18, %mul3A_19 : i32
      %add3A_21 = arith.constant 0 : i32
      %add3A_22 = arith.addi %add3A_21, %mul3A_20 : i32
      %add3A_23 = arith.addi %mul3A_2, %add3A_22 : i32
      "tpu.region"() ({
        %run_scoped3A = tpu.sem_alloc : memref<!tpu.dma_semaphore, #tpu.memory_space<semaphore_mem>>
        %dma_start3A = arith.constant 0 : i32
        %dma_start3A_25 = tpu.memref_slice %arg11[%add3A_23, %dma_start3A] : memref<10000x64xf32, #tpu.memory_space<vmem_shared>> -> memref<25x64xf32, #tpu.memory_space<vmem_shared>>
        %dma_start3A_26 = arith.constant 0 : i32
        %dma_start3A_27 = tpu.memref_slice %arg11[%add3A_23, %dma_start3A_26] : memref<10000x64xf32, #tpu.memory_space<vmem_shared>> -> memref<25x64xf32, #tpu.memory_space<vmem_shared>>
        tpu.enqueue_dma source(%dma_start3A_27 : memref<25x64xf32, #tpu.memory_space<vmem_shared>>) target(%arg10 : memref<25x64xf32, #tpu.memory_space<vmem>>) target_semaphore(%run_scoped3A : memref<!tpu.dma_semaphore, #tpu.memory_space<semaphore_mem>>)
        %dma_wait3A = arith.constant 0 : i32
        %dma_wait3A_28 = tpu.memref_slice %arg11[%add3A_23, %dma_wait3A] : memref<10000x64xf32, #tpu.memory_space<vmem_shared>> -> memref<25x64xf32, #tpu.memory_space<vmem_shared>>
        %dma_wait3A_29 = arith.constant 0 : i32
        %dma_wait3A_30 = tpu.memref_slice %arg11[%add3A_23, %dma_wait3A_29] : memref<10000x64xf32, #tpu.memory_space<vmem_shared>> -> memref<25x64xf32, #tpu.memory_space<vmem_shared>>
        tpu.wait_dma2 semaphore(%run_scoped3A : memref<!tpu.dma_semaphore, #tpu.memory_space<semaphore_mem>>) src(%dma_wait3A_30 : memref<25x64xf32, #tpu.memory_space<vmem_shared>>) dst(%arg10 : memref<25x64xf32, #tpu.memory_space<vmem>>)
        tpu.yield
      }) : () -> ()
      %add3A_24 = arith.addi %mul3A_2, %add3A_22 : i32
      "tpu.region"() ({
        %run_scoped3A = tpu.sem_alloc : memref<!tpu.dma_semaphore, #tpu.memory_space<semaphore_mem>>
        %dma_start3A = arith.constant 0 : i32
        %dma_start3A_25 = tpu.memref_slice %arg6[%arg0, %add3A_24, %dma_start3A] : memref<2x10000x64xf32, #tpu.memory_space<hbm>> -> memref<1x25x64xf32, #tpu.memory_space<hbm>>
        %dma_start3A_26 = tpu.memref_squeeze %dma_start3A_25 : memref<1x25x64xf32, #tpu.memory_space<hbm>> -> memref<25x64xf32, #tpu.memory_space<hbm>>
        %dma_start3A_27 = arith.constant 0 : i32
        %dma_start3A_28 = tpu.memref_slice %arg6[%arg0, %add3A_24, %dma_start3A_27] : memref<2x10000x64xf32, #tpu.memory_space<hbm>> -> memref<1x25x64xf32, #tpu.memory_space<hbm>>
        %dma_start3A_29 = tpu.memref_squeeze %dma_start3A_28 : memref<1x25x64xf32, #tpu.memory_space<hbm>> -> memref<25x64xf32, #tpu.memory_space<hbm>>
        tpu.enqueue_dma source(%arg10 : memref<25x64xf32, #tpu.memory_space<vmem>>) target(%dma_start3A_29 : memref<25x64xf32, #tpu.memory_space<hbm>>) target_semaphore(%run_scoped3A : memref<!tpu.dma_semaphore, #tpu.memory_space<semaphore_mem>>)
        %dma_wait3A = arith.constant 0 : i32
        %dma_wait3A_30 = tpu.memref_slice %arg6[%arg0, %add3A_24, %dma_wait3A] : memref<2x10000x64xf32, #tpu.memory_space<hbm>> -> memref<1x25x64xf32, #tpu.memory_space<hbm>>
        %dma_wait3A_31 = tpu.memref_squeeze %dma_wait3A_30 : memref<1x25x64xf32, #tpu.memory_space<hbm>> -> memref<25x64xf32, #tpu.memory_space<hbm>>
        %dma_wait3A_32 = arith.constant 0 : i32
        %dma_wait3A_33 = tpu.memref_slice %arg6[%arg0, %add3A_24, %dma_wait3A_32] : memref<2x10000x64xf32, #tpu.memory_space<hbm>> -> memref<1x25x64xf32, #tpu.memory_space<hbm>>
        %dma_wait3A_34 = tpu.memref_squeeze %dma_wait3A_33 : memref<1x25x64xf32, #tpu.memory_space<hbm>> -> memref<25x64xf32, #tpu.memory_space<hbm>>
        tpu.wait_dma2 semaphore(%run_scoped3A : memref<!tpu.dma_semaphore, #tpu.memory_space<semaphore_mem>>) src(%arg10 : memref<25x64xf32, #tpu.memory_space<vmem>>) dst(%dma_wait3A_34 : memref<25x64xf32, #tpu.memory_space<hbm>>)
        tpu.yield
      }) : () -> ()
    }
    %scan3A_17 = arith.constant 25 : i32
    return
  }
}

#map = affine_map<(d0, d1) -> (0, 0)>
#map1 = affine_map<(d0, d1) -> (0, 0, 0)>
module attributes {stable_mosaic.version = 14 : i64} {
  func.func @k(%arg0: i32, %arg1: i32, %arg2: memref<10000x128xf32, #tpu.memory_space<hbm>>, %arg3: memref<32x125x80xi32, #tpu.memory_space<hbm>>, %arg4: memref<32x125x80xi32, #tpu.memory_space<hbm>>, %arg5: memref<25x128xf32, #tpu.memory_space<hbm>>, %arg6: memref<80x16xf32, #tpu.memory_space<hbm>>, %arg7: memref<25x16xf32, #tpu.memory_space<hbm>>, %arg8: memref<2x10000x128xf32, #tpu.memory_space<hbm>>, %arg9: memref<2x10000x16xf32, #tpu.memory_space<hbm>>, %arg10: memref<125x80xi32, #tpu.memory_space<vmem>>, %arg11: memref<125x80xi32, #tpu.memory_space<vmem>>, %arg12: memref<80x128xf32, #tpu.memory_space<vmem>>, %arg13: memref<25x128xf32, #tpu.memory_space<vmem>>, %arg14: memref<10000x128xf32, #tpu.memory_space<vmem_shared>>, %arg15: memref<80x16xf32, #tpu.memory_space<vmem>>, %arg16: memref<25x16xf32, #tpu.memory_space<vmem>>, %arg17: memref<10000x16xf32, #tpu.memory_space<vmem_shared>>) attributes {dimension_semantics = [#tpu.dimension_semantics<core_parallel>, #tpu.dimension_semantics<subcore_parallel>], iteration_bounds = array<i64: 2, 16>, scalar_prefetch = 0 : i64, scratch_operands = 8 : i64, tpu.core_type = #tpu.core_type<sc_vector_subcore>, window_params = [{transform_indices = #map}, {transform_indices = #map1}, {transform_indices = #map1}, {transform_indices = #map}, {transform_indices = #map}, {transform_indices = #map}, {transform_indices = #map1}, {transform_indices = #map1}]} {
    %mul3A = arith.constant 16 : i32
    %mul3A_0 = arith.muli %arg0, %mul3A : i32
    %add3A = arith.addi %mul3A_0, %arg1 : i32
    %mul3A_1 = arith.constant 625 : i32
    %mul3A_2 = arith.muli %arg1, %mul3A_1 : i32
    "tpu.region"() ({
      %run_scoped3A = tpu.sem_alloc : memref<!tpu.dma_semaphore, #tpu.memory_space<semaphore_mem>>
      %dma_start3A = arith.constant 0 : i32
      %dma_start3A_18 = arith.constant 0 : i32
      %dma_start3A_19 = tpu.memref_slice %arg3[%add3A, %dma_start3A, %dma_start3A_18] : memref<32x125x80xi32, #tpu.memory_space<hbm>> -> memref<1x125x80xi32, #tpu.memory_space<hbm>>
      %dma_start3A_20 = tpu.memref_squeeze %dma_start3A_19 : memref<1x125x80xi32, #tpu.memory_space<hbm>> -> memref<125x80xi32, #tpu.memory_space<hbm>>
      %dma_start3A_21 = arith.constant 0 : i32
      %dma_start3A_22 = arith.constant 0 : i32
      %dma_start3A_23 = tpu.memref_slice %arg3[%add3A, %dma_start3A_21, %dma_start3A_22] : memref<32x125x80xi32, #tpu.memory_space<hbm>> -> memref<1x125x80xi32, #tpu.memory_space<hbm>>
      %dma_start3A_24 = tpu.memref_squeeze %dma_start3A_23 : memref<1x125x80xi32, #tpu.memory_space<hbm>> -> memref<125x80xi32, #tpu.memory_space<hbm>>
      tpu.enqueue_dma source(%dma_start3A_24 : memref<125x80xi32, #tpu.memory_space<hbm>>) target(%arg10 : memref<125x80xi32, #tpu.memory_space<vmem>>) target_semaphore(%run_scoped3A : memref<!tpu.dma_semaphore, #tpu.memory_space<semaphore_mem>>)
      %dma_wait3A = arith.constant 0 : i32
      %dma_wait3A_25 = arith.constant 0 : i32
      %dma_wait3A_26 = tpu.memref_slice %arg3[%add3A, %dma_wait3A, %dma_wait3A_25] : memref<32x125x80xi32, #tpu.memory_space<hbm>> -> memref<1x125x80xi32, #tpu.memory_space<hbm>>
      %dma_wait3A_27 = tpu.memref_squeeze %dma_wait3A_26 : memref<1x125x80xi32, #tpu.memory_space<hbm>> -> memref<125x80xi32, #tpu.memory_space<hbm>>
      %dma_wait3A_28 = arith.constant 0 : i32
      %dma_wait3A_29 = arith.constant 0 : i32
      %dma_wait3A_30 = tpu.memref_slice %arg3[%add3A, %dma_wait3A_28, %dma_wait3A_29] : memref<32x125x80xi32, #tpu.memory_space<hbm>> -> memref<1x125x80xi32, #tpu.memory_space<hbm>>
      %dma_wait3A_31 = tpu.memref_squeeze %dma_wait3A_30 : memref<1x125x80xi32, #tpu.memory_space<hbm>> -> memref<125x80xi32, #tpu.memory_space<hbm>>
      tpu.wait_dma2 semaphore(%run_scoped3A : memref<!tpu.dma_semaphore, #tpu.memory_space<semaphore_mem>>) src(%dma_wait3A_31 : memref<125x80xi32, #tpu.memory_space<hbm>>) dst(%arg10 : memref<125x80xi32, #tpu.memory_space<vmem>>)
      tpu.yield
    }) : () -> ()
    "tpu.region"() ({
      %run_scoped3A = tpu.sem_alloc : memref<!tpu.dma_semaphore, #tpu.memory_space<semaphore_mem>>
      %dma_start3A = arith.constant 0 : i32
      %dma_start3A_18 = arith.constant 0 : i32
      %dma_start3A_19 = tpu.memref_slice %arg4[%add3A, %dma_start3A, %dma_start3A_18] : memref<32x125x80xi32, #tpu.memory_space<hbm>> -> memref<1x125x80xi32, #tpu.memory_space<hbm>>
      %dma_start3A_20 = tpu.memref_squeeze %dma_start3A_19 : memref<1x125x80xi32, #tpu.memory_space<hbm>> -> memref<125x80xi32, #tpu.memory_space<hbm>>
      %dma_start3A_21 = arith.constant 0 : i32
      %dma_start3A_22 = arith.constant 0 : i32
      %dma_start3A_23 = tpu.memref_slice %arg4[%add3A, %dma_start3A_21, %dma_start3A_22] : memref<32x125x80xi32, #tpu.memory_space<hbm>> -> memref<1x125x80xi32, #tpu.memory_space<hbm>>
      %dma_start3A_24 = tpu.memref_squeeze %dma_start3A_23 : memref<1x125x80xi32, #tpu.memory_space<hbm>> -> memref<125x80xi32, #tpu.memory_space<hbm>>
      tpu.enqueue_dma source(%dma_start3A_24 : memref<125x80xi32, #tpu.memory_space<hbm>>) target(%arg11 : memref<125x80xi32, #tpu.memory_space<vmem>>) target_semaphore(%run_scoped3A : memref<!tpu.dma_semaphore, #tpu.memory_space<semaphore_mem>>)
      %dma_wait3A = arith.constant 0 : i32
      %dma_wait3A_25 = arith.constant 0 : i32
      %dma_wait3A_26 = tpu.memref_slice %arg4[%add3A, %dma_wait3A, %dma_wait3A_25] : memref<32x125x80xi32, #tpu.memory_space<hbm>> -> memref<1x125x80xi32, #tpu.memory_space<hbm>>
      %dma_wait3A_27 = tpu.memref_squeeze %dma_wait3A_26 : memref<1x125x80xi32, #tpu.memory_space<hbm>> -> memref<125x80xi32, #tpu.memory_space<hbm>>
      %dma_wait3A_28 = arith.constant 0 : i32
      %dma_wait3A_29 = arith.constant 0 : i32
      %dma_wait3A_30 = tpu.memref_slice %arg4[%add3A, %dma_wait3A_28, %dma_wait3A_29] : memref<32x125x80xi32, #tpu.memory_space<hbm>> -> memref<1x125x80xi32, #tpu.memory_space<hbm>>
      %dma_wait3A_31 = tpu.memref_squeeze %dma_wait3A_30 : memref<1x125x80xi32, #tpu.memory_space<hbm>> -> memref<125x80xi32, #tpu.memory_space<hbm>>
      tpu.wait_dma2 semaphore(%run_scoped3A : memref<!tpu.dma_semaphore, #tpu.memory_space<semaphore_mem>>) src(%dma_wait3A_31 : memref<125x80xi32, #tpu.memory_space<hbm>>) dst(%arg11 : memref<125x80xi32, #tpu.memory_space<vmem>>)
      tpu.yield
    }) : () -> ()
    "tpu.region"() ({
      %run_scoped3A = tpu.sem_alloc : memref<!tpu.dma_semaphore, #tpu.memory_space<semaphore_mem>>
      tpu.enqueue_dma source(%arg5 : memref<25x128xf32, #tpu.memory_space<hbm>>) target(%arg13 : memref<25x128xf32, #tpu.memory_space<vmem>>) target_semaphore(%run_scoped3A : memref<!tpu.dma_semaphore, #tpu.memory_space<semaphore_mem>>)
      tpu.wait_dma2 semaphore(%run_scoped3A : memref<!tpu.dma_semaphore, #tpu.memory_space<semaphore_mem>>) src(%arg5 : memref<25x128xf32, #tpu.memory_space<hbm>>) dst(%arg13 : memref<25x128xf32, #tpu.memory_space<vmem>>)
      tpu.yield
    }) : () -> ()
    "tpu.region"() ({
      %run_scoped3A = tpu.sem_alloc : memref<!tpu.dma_semaphore, #tpu.memory_space<semaphore_mem>>
      tpu.enqueue_dma source(%arg6 : memref<80x16xf32, #tpu.memory_space<hbm>>) target(%arg15 : memref<80x16xf32, #tpu.memory_space<vmem>>) target_semaphore(%run_scoped3A : memref<!tpu.dma_semaphore, #tpu.memory_space<semaphore_mem>>)
      tpu.wait_dma2 semaphore(%run_scoped3A : memref<!tpu.dma_semaphore, #tpu.memory_space<semaphore_mem>>) src(%arg6 : memref<80x16xf32, #tpu.memory_space<hbm>>) dst(%arg15 : memref<80x16xf32, #tpu.memory_space<vmem>>)
      tpu.yield
    }) : () -> ()
    "tpu.region"() ({
      %run_scoped3A = tpu.sem_alloc : memref<!tpu.dma_semaphore, #tpu.memory_space<semaphore_mem>>
      tpu.enqueue_dma source(%arg7 : memref<25x16xf32, #tpu.memory_space<hbm>>) target(%arg16 : memref<25x16xf32, #tpu.memory_space<vmem>>) target_semaphore(%run_scoped3A : memref<!tpu.dma_semaphore, #tpu.memory_space<semaphore_mem>>)
      tpu.wait_dma2 semaphore(%run_scoped3A : memref<!tpu.dma_semaphore, #tpu.memory_space<semaphore_mem>>) src(%arg7 : memref<25x16xf32, #tpu.memory_space<hbm>>) dst(%arg16 : memref<25x16xf32, #tpu.memory_space<vmem>>)
      tpu.yield
    }) : () -> ()
    %scan3A = arith.constant 0 : i32
    %scan3A_3 = arith.constant 25 : i32
    %scan3A_4 = arith.addi %scan3A, %scan3A_3 : i32
    %scan3A_5 = arith.constant 1 : i32
    scf.for %scan3A_18 = %scan3A to %scan3A_4 step %scan3A_5  : i32 {
      %mul3A_19 = arith.constant 25 : i32
      %mul3A_20 = arith.muli %scan3A_18, %mul3A_19 : i32
      %add3A_21 = arith.constant 0 : i32
      %add3A_22 = arith.addi %add3A_21, %mul3A_20 : i32
      %add3A_23 = arith.addi %mul3A_2, %add3A_22 : i32
      "tpu.region"() ({
        %run_scoped3A = tpu.sem_alloc : memref<!tpu.dma_semaphore, #tpu.memory_space<semaphore_mem>>
        %dma_start3A = arith.constant 0 : i32
        %dma_start3A_25 = tpu.memref_slice %arg14[%add3A_23, %dma_start3A] : memref<10000x128xf32, #tpu.memory_space<vmem_shared>> -> memref<25x128xf32, #tpu.memory_space<vmem_shared>>
        %dma_start3A_26 = arith.constant 0 : i32
        %dma_start3A_27 = tpu.memref_slice %arg14[%add3A_23, %dma_start3A_26] : memref<10000x128xf32, #tpu.memory_space<vmem_shared>> -> memref<25x128xf32, #tpu.memory_space<vmem_shared>>
        tpu.enqueue_dma source(%arg13 : memref<25x128xf32, #tpu.memory_space<vmem>>) target(%dma_start3A_27 : memref<25x128xf32, #tpu.memory_space<vmem_shared>>) target_semaphore(%run_scoped3A : memref<!tpu.dma_semaphore, #tpu.memory_space<semaphore_mem>>)
        %dma_wait3A = arith.constant 0 : i32
        %dma_wait3A_28 = tpu.memref_slice %arg14[%add3A_23, %dma_wait3A] : memref<10000x128xf32, #tpu.memory_space<vmem_shared>> -> memref<25x128xf32, #tpu.memory_space<vmem_shared>>
        %dma_wait3A_29 = arith.constant 0 : i32
        %dma_wait3A_30 = tpu.memref_slice %arg14[%add3A_23, %dma_wait3A_29] : memref<10000x128xf32, #tpu.memory_space<vmem_shared>> -> memref<25x128xf32, #tpu.memory_space<vmem_shared>>
        tpu.wait_dma2 semaphore(%run_scoped3A : memref<!tpu.dma_semaphore, #tpu.memory_space<semaphore_mem>>) src(%arg13 : memref<25x128xf32, #tpu.memory_space<vmem>>) dst(%dma_wait3A_30 : memref<25x128xf32, #tpu.memory_space<vmem_shared>>)
        tpu.yield
      }) : () -> ()
      %add3A_24 = arith.addi %mul3A_2, %add3A_22 : i32
      "tpu.region"() ({
        %run_scoped3A = tpu.sem_alloc : memref<!tpu.dma_semaphore, #tpu.memory_space<semaphore_mem>>
        %dma_start3A = arith.constant 0 : i32
        %dma_start3A_25 = tpu.memref_slice %arg17[%add3A_24, %dma_start3A] : memref<10000x16xf32, #tpu.memory_space<vmem_shared>> -> memref<25x16xf32, #tpu.memory_space<vmem_shared>>
        %dma_start3A_26 = arith.constant 0 : i32
        %dma_start3A_27 = tpu.memref_slice %arg17[%add3A_24, %dma_start3A_26] : memref<10000x16xf32, #tpu.memory_space<vmem_shared>> -> memref<25x16xf32, #tpu.memory_space<vmem_shared>>
        tpu.enqueue_dma source(%arg16 : memref<25x16xf32, #tpu.memory_space<vmem>>) target(%dma_start3A_27 : memref<25x16xf32, #tpu.memory_space<vmem_shared>>) target_semaphore(%run_scoped3A : memref<!tpu.dma_semaphore, #tpu.memory_space<semaphore_mem>>)
        %dma_wait3A = arith.constant 0 : i32
        %dma_wait3A_28 = tpu.memref_slice %arg17[%add3A_24, %dma_wait3A] : memref<10000x16xf32, #tpu.memory_space<vmem_shared>> -> memref<25x16xf32, #tpu.memory_space<vmem_shared>>
        %dma_wait3A_29 = arith.constant 0 : i32
        %dma_wait3A_30 = tpu.memref_slice %arg17[%add3A_24, %dma_wait3A_29] : memref<10000x16xf32, #tpu.memory_space<vmem_shared>> -> memref<25x16xf32, #tpu.memory_space<vmem_shared>>
        tpu.wait_dma2 semaphore(%run_scoped3A : memref<!tpu.dma_semaphore, #tpu.memory_space<semaphore_mem>>) src(%arg16 : memref<25x16xf32, #tpu.memory_space<vmem>>) dst(%dma_wait3A_30 : memref<25x16xf32, #tpu.memory_space<vmem_shared>>)
        tpu.yield
      }) : () -> ()
    }
    %scan3A_6 = arith.constant 25 : i32
    %barrier3A = arith.constant 0 : index
    tpu.barrier barrier_id(%barrier3A)
    %scan3A_7 = arith.constant 0 : i32
    %scan3A_8 = arith.constant 125 : i32
    %scan3A_9 = arith.addi %scan3A_7, %scan3A_8 : i32
    %scan3A_10 = arith.constant 1 : i32
    scf.for %scan3A_18 = %scan3A_7 to %scan3A_9 step %scan3A_10  : i32 {
      %mul3A_19 = arith.constant 1 : i32
      %mul3A_20 = arith.muli %scan3A_18, %mul3A_19 : i32
      %add3A_21 = arith.constant 0 : i32
      %add3A_22 = arith.addi %add3A_21, %mul3A_20 : i32
      "tpu.region"() ({
        %run_scoped3A = tpu.sem_alloc : memref<!tpu.dma_semaphore, #tpu.memory_space<semaphore_mem>>
        %dma_start3A = arith.constant 0 : i32
        %dma_start3A_23 = tpu.memref_slice %arg10[%add3A_22, %dma_start3A] : memref<125x80xi32, #tpu.memory_space<vmem>> -> memref<1x80xi32, #tpu.memory_space<vmem>>
        %dma_start3A_24 = tpu.memref_squeeze %dma_start3A_23 : memref<1x80xi32, #tpu.memory_space<vmem>> -> memref<80xi32, #tpu.memory_space<vmem>>
        %dma_start3A_25 = arith.constant 0 : i32
        %dma_start3A_26 = arith.constant 0 : i32
        %dma_start3A_27 = tpu.memref_slice %arg2[%dma_start3A_25, %dma_start3A_26] : memref<10000x128xf32, #tpu.memory_space<hbm>> -> memref<10000x128xf32, #tpu.memory_space<hbm>>
        tpu.enqueue_indirect_dma source(%dma_start3A_27 : memref<10000x128xf32, #tpu.memory_space<hbm>>) target(%arg12 : memref<80x128xf32, #tpu.memory_space<vmem>>) offsets(%dma_start3A_24 : memref<80xi32, #tpu.memory_space<vmem>>) semaphore(%run_scoped3A : memref<!tpu.dma_semaphore, #tpu.memory_space<semaphore_mem>>)
        %dma_wait3A = arith.constant 0 : i32
        %dma_wait3A_28 = tpu.memref_slice %arg10[%add3A_22, %dma_wait3A] : memref<125x80xi32, #tpu.memory_space<vmem>> -> memref<1x80xi32, #tpu.memory_space<vmem>>
        %dma_wait3A_29 = tpu.memref_squeeze %dma_wait3A_28 : memref<1x80xi32, #tpu.memory_space<vmem>> -> memref<80xi32, #tpu.memory_space<vmem>>
        %dma_wait3A_30 = arith.constant 0 : i32
        %dma_wait3A_31 = arith.constant 0 : i32
        %dma_wait3A_32 = tpu.memref_slice %arg2[%dma_wait3A_30, %dma_wait3A_31] : memref<10000x128xf32, #tpu.memory_space<hbm>> -> memref<10000x128xf32, #tpu.memory_space<hbm>>
        tpu.wait_indirect_dma semaphore(%run_scoped3A : memref<!tpu.dma_semaphore, #tpu.memory_space<semaphore_mem>>) src(%dma_wait3A_32 : memref<10000x128xf32, #tpu.memory_space<hbm>>) dst(%arg12 : memref<80x128xf32, #tpu.memory_space<vmem>>)
        tpu.yield
      }) : () -> ()
      "tpu.region"() ({
        %run_scoped3A = tpu.sem_alloc : memref<!tpu.dma_semaphore, #tpu.memory_space<semaphore_mem>>
        %dma_start3A = arith.constant 0 : i32
        %dma_start3A_23 = tpu.memref_slice %arg11[%add3A_22, %dma_start3A] : memref<125x80xi32, #tpu.memory_space<vmem>> -> memref<1x80xi32, #tpu.memory_space<vmem>>
        %dma_start3A_24 = tpu.memref_squeeze %dma_start3A_23 : memref<1x80xi32, #tpu.memory_space<vmem>> -> memref<80xi32, #tpu.memory_space<vmem>>
        %dma_start3A_25 = arith.constant 0 : i32
        %dma_start3A_26 = arith.constant 0 : i32
        %dma_start3A_27 = tpu.memref_slice %arg14[%dma_start3A_25, %dma_start3A_26] : memref<10000x128xf32, #tpu.memory_space<vmem_shared>> -> memref<10000x128xf32, #tpu.memory_space<vmem_shared>>
        tpu.enqueue_indirect_dma source(%arg12 : memref<80x128xf32, #tpu.memory_space<vmem>>) target(%dma_start3A_27 : memref<10000x128xf32, #tpu.memory_space<vmem_shared>>) offsets(%dma_start3A_24 : memref<80xi32, #tpu.memory_space<vmem>>) semaphore(%run_scoped3A : memref<!tpu.dma_semaphore, #tpu.memory_space<semaphore_mem>>) {add = true}
        %dma_wait3A = arith.constant 0 : i32
        %dma_wait3A_28 = tpu.memref_slice %arg11[%add3A_22, %dma_wait3A] : memref<125x80xi32, #tpu.memory_space<vmem>> -> memref<1x80xi32, #tpu.memory_space<vmem>>
        %dma_wait3A_29 = tpu.memref_squeeze %dma_wait3A_28 : memref<1x80xi32, #tpu.memory_space<vmem>> -> memref<80xi32, #tpu.memory_space<vmem>>
        %dma_wait3A_30 = arith.constant 0 : i32
        %dma_wait3A_31 = arith.constant 0 : i32
        %dma_wait3A_32 = tpu.memref_slice %arg14[%dma_wait3A_30, %dma_wait3A_31] : memref<10000x128xf32, #tpu.memory_space<vmem_shared>> -> memref<10000x128xf32, #tpu.memory_space<vmem_shared>>
        tpu.wait_indirect_dma semaphore(%run_scoped3A : memref<!tpu.dma_semaphore, #tpu.memory_space<semaphore_mem>>) src(%arg12 : memref<80x128xf32, #tpu.memory_space<vmem>>) dst(%dma_wait3A_32 : memref<10000x128xf32, #tpu.memory_space<vmem_shared>>)
        tpu.yield
      }) : () -> ()
      "tpu.region"() ({
        %run_scoped3A = tpu.sem_alloc : memref<!tpu.dma_semaphore, #tpu.memory_space<semaphore_mem>>
        %dma_start3A = arith.constant 0 : i32
        %dma_start3A_23 = tpu.memref_slice %arg11[%add3A_22, %dma_start3A] : memref<125x80xi32, #tpu.memory_space<vmem>> -> memref<1x80xi32, #tpu.memory_space<vmem>>
        %dma_start3A_24 = tpu.memref_squeeze %dma_start3A_23 : memref<1x80xi32, #tpu.memory_space<vmem>> -> memref<80xi32, #tpu.memory_space<vmem>>
        %dma_start3A_25 = arith.constant 0 : i32
        %dma_start3A_26 = arith.constant 0 : i32
        %dma_start3A_27 = tpu.memref_slice %arg17[%dma_start3A_25, %dma_start3A_26] : memref<10000x16xf32, #tpu.memory_space<vmem_shared>> -> memref<10000x16xf32, #tpu.memory_space<vmem_shared>>
        tpu.enqueue_indirect_dma source(%arg15 : memref<80x16xf32, #tpu.memory_space<vmem>>) target(%dma_start3A_27 : memref<10000x16xf32, #tpu.memory_space<vmem_shared>>) offsets(%dma_start3A_24 : memref<80xi32, #tpu.memory_space<vmem>>) semaphore(%run_scoped3A : memref<!tpu.dma_semaphore, #tpu.memory_space<semaphore_mem>>) {add = true}
        %dma_wait3A = arith.constant 0 : i32
        %dma_wait3A_28 = tpu.memref_slice %arg11[%add3A_22, %dma_wait3A] : memref<125x80xi32, #tpu.memory_space<vmem>> -> memref<1x80xi32, #tpu.memory_space<vmem>>
        %dma_wait3A_29 = tpu.memref_squeeze %dma_wait3A_28 : memref<1x80xi32, #tpu.memory_space<vmem>> -> memref<80xi32, #tpu.memory_space<vmem>>
        %dma_wait3A_30 = arith.constant 0 : i32
        %dma_wait3A_31 = arith.constant 0 : i32
        %dma_wait3A_32 = tpu.memref_slice %arg17[%dma_wait3A_30, %dma_wait3A_31] : memref<10000x16xf32, #tpu.memory_space<vmem_shared>> -> memref<10000x16xf32, #tpu.memory_space<vmem_shared>>
        tpu.wait_indirect_dma semaphore(%run_scoped3A : memref<!tpu.dma_semaphore, #tpu.memory_space<semaphore_mem>>) src(%arg15 : memref<80x16xf32, #tpu.memory_space<vmem>>) dst(%dma_wait3A_32 : memref<10000x16xf32, #tpu.memory_space<vmem_shared>>)
        tpu.yield
      }) : () -> ()
    }
    %scan3A_11 = arith.constant 125 : i32
    %barrier3A_12 = arith.constant 0 : index
    tpu.barrier barrier_id(%barrier3A_12)
    %scan3A_13 = arith.constant 0 : i32
    %scan3A_14 = arith.constant 25 : i32
    %scan3A_15 = arith.addi %scan3A_13, %scan3A_14 : i32
    %scan3A_16 = arith.constant 1 : i32
    scf.for %scan3A_18 = %scan3A_13 to %scan3A_15 step %scan3A_16  : i32 {
      %mul3A_19 = arith.constant 25 : i32
      %mul3A_20 = arith.muli %scan3A_18, %mul3A_19 : i32
      %add3A_21 = arith.constant 0 : i32
      %add3A_22 = arith.addi %add3A_21, %mul3A_20 : i32
      %add3A_23 = arith.addi %mul3A_2, %add3A_22 : i32
      "tpu.region"() ({
        %run_scoped3A = tpu.sem_alloc : memref<!tpu.dma_semaphore, #tpu.memory_space<semaphore_mem>>
        %dma_start3A = arith.constant 0 : i32
        %dma_start3A_27 = tpu.memref_slice %arg14[%add3A_23, %dma_start3A] : memref<10000x128xf32, #tpu.memory_space<vmem_shared>> -> memref<25x128xf32, #tpu.memory_space<vmem_shared>>
        %dma_start3A_28 = arith.constant 0 : i32
        %dma_start3A_29 = tpu.memref_slice %arg14[%add3A_23, %dma_start3A_28] : memref<10000x128xf32, #tpu.memory_space<vmem_shared>> -> memref<25x128xf32, #tpu.memory_space<vmem_shared>>
        tpu.enqueue_dma source(%dma_start3A_29 : memref<25x128xf32, #tpu.memory_space<vmem_shared>>) target(%arg13 : memref<25x128xf32, #tpu.memory_space<vmem>>) target_semaphore(%run_scoped3A : memref<!tpu.dma_semaphore, #tpu.memory_space<semaphore_mem>>)
        %dma_wait3A = arith.constant 0 : i32
        %dma_wait3A_30 = tpu.memref_slice %arg14[%add3A_23, %dma_wait3A] : memref<10000x128xf32, #tpu.memory_space<vmem_shared>> -> memref<25x128xf32, #tpu.memory_space<vmem_shared>>
        %dma_wait3A_31 = arith.constant 0 : i32
        %dma_wait3A_32 = tpu.memref_slice %arg14[%add3A_23, %dma_wait3A_31] : memref<10000x128xf32, #tpu.memory_space<vmem_shared>> -> memref<25x128xf32, #tpu.memory_space<vmem_shared>>
        tpu.wait_dma2 semaphore(%run_scoped3A : memref<!tpu.dma_semaphore, #tpu.memory_space<semaphore_mem>>) src(%dma_wait3A_32 : memref<25x128xf32, #tpu.memory_space<vmem_shared>>) dst(%arg13 : memref<25x128xf32, #tpu.memory_space<vmem>>)
        tpu.yield
      }) : () -> ()
      %add3A_24 = arith.addi %mul3A_2, %add3A_22 : i32
      "tpu.region"() ({
        %run_scoped3A = tpu.sem_alloc : memref<!tpu.dma_semaphore, #tpu.memory_space<semaphore_mem>>
        %dma_start3A = arith.constant 0 : i32
        %dma_start3A_27 = tpu.memref_slice %arg8[%arg0, %add3A_24, %dma_start3A] : memref<2x10000x128xf32, #tpu.memory_space<hbm>> -> memref<1x25x128xf32, #tpu.memory_space<hbm>>
        %dma_start3A_28 = tpu.memref_squeeze %dma_start3A_27 : memref<1x25x128xf32, #tpu.memory_space<hbm>> -> memref<25x128xf32, #tpu.memory_space<hbm>>
        %dma_start3A_29 = arith.constant 0 : i32
        %dma_start3A_30 = tpu.memref_slice %arg8[%arg0, %add3A_24, %dma_start3A_29] : memref<2x10000x128xf32, #tpu.memory_space<hbm>> -> memref<1x25x128xf32, #tpu.memory_space<hbm>>
        %dma_start3A_31 = tpu.memref_squeeze %dma_start3A_30 : memref<1x25x128xf32, #tpu.memory_space<hbm>> -> memref<25x128xf32, #tpu.memory_space<hbm>>
        tpu.enqueue_dma source(%arg13 : memref<25x128xf32, #tpu.memory_space<vmem>>) target(%dma_start3A_31 : memref<25x128xf32, #tpu.memory_space<hbm>>) target_semaphore(%run_scoped3A : memref<!tpu.dma_semaphore, #tpu.memory_space<semaphore_mem>>)
        %dma_wait3A = arith.constant 0 : i32
        %dma_wait3A_32 = tpu.memref_slice %arg8[%arg0, %add3A_24, %dma_wait3A] : memref<2x10000x128xf32, #tpu.memory_space<hbm>> -> memref<1x25x128xf32, #tpu.memory_space<hbm>>
        %dma_wait3A_33 = tpu.memref_squeeze %dma_wait3A_32 : memref<1x25x128xf32, #tpu.memory_space<hbm>> -> memref<25x128xf32, #tpu.memory_space<hbm>>
        %dma_wait3A_34 = arith.constant 0 : i32
        %dma_wait3A_35 = tpu.memref_slice %arg8[%arg0, %add3A_24, %dma_wait3A_34] : memref<2x10000x128xf32, #tpu.memory_space<hbm>> -> memref<1x25x128xf32, #tpu.memory_space<hbm>>
        %dma_wait3A_36 = tpu.memref_squeeze %dma_wait3A_35 : memref<1x25x128xf32, #tpu.memory_space<hbm>> -> memref<25x128xf32, #tpu.memory_space<hbm>>
        tpu.wait_dma2 semaphore(%run_scoped3A : memref<!tpu.dma_semaphore, #tpu.memory_space<semaphore_mem>>) src(%arg13 : memref<25x128xf32, #tpu.memory_space<vmem>>) dst(%dma_wait3A_36 : memref<25x128xf32, #tpu.memory_space<hbm>>)
        tpu.yield
      }) : () -> ()
      %add3A_25 = arith.addi %mul3A_2, %add3A_22 : i32
      "tpu.region"() ({
        %run_scoped3A = tpu.sem_alloc : memref<!tpu.dma_semaphore, #tpu.memory_space<semaphore_mem>>
        %dma_start3A = arith.constant 0 : i32
        %dma_start3A_27 = tpu.memref_slice %arg17[%add3A_25, %dma_start3A] : memref<10000x16xf32, #tpu.memory_space<vmem_shared>> -> memref<25x16xf32, #tpu.memory_space<vmem_shared>>
        %dma_start3A_28 = arith.constant 0 : i32
        %dma_start3A_29 = tpu.memref_slice %arg17[%add3A_25, %dma_start3A_28] : memref<10000x16xf32, #tpu.memory_space<vmem_shared>> -> memref<25x16xf32, #tpu.memory_space<vmem_shared>>
        tpu.enqueue_dma source(%dma_start3A_29 : memref<25x16xf32, #tpu.memory_space<vmem_shared>>) target(%arg16 : memref<25x16xf32, #tpu.memory_space<vmem>>) target_semaphore(%run_scoped3A : memref<!tpu.dma_semaphore, #tpu.memory_space<semaphore_mem>>)
        %dma_wait3A = arith.constant 0 : i32
        %dma_wait3A_30 = tpu.memref_slice %arg17[%add3A_25, %dma_wait3A] : memref<10000x16xf32, #tpu.memory_space<vmem_shared>> -> memref<25x16xf32, #tpu.memory_space<vmem_shared>>
        %dma_wait3A_31 = arith.constant 0 : i32
        %dma_wait3A_32 = tpu.memref_slice %arg17[%add3A_25, %dma_wait3A_31] : memref<10000x16xf32, #tpu.memory_space<vmem_shared>> -> memref<25x16xf32, #tpu.memory_space<vmem_shared>>
        tpu.wait_dma2 semaphore(%run_scoped3A : memref<!tpu.dma_semaphore, #tpu.memory_space<semaphore_mem>>) src(%dma_wait3A_32 : memref<25x16xf32, #tpu.memory_space<vmem_shared>>) dst(%arg16 : memref<25x16xf32, #tpu.memory_space<vmem>>)
        tpu.yield
      }) : () -> ()
      %add3A_26 = arith.addi %mul3A_2, %add3A_22 : i32
      "tpu.region"() ({
        %run_scoped3A = tpu.sem_alloc : memref<!tpu.dma_semaphore, #tpu.memory_space<semaphore_mem>>
        %dma_start3A = arith.constant 0 : i32
        %dma_start3A_27 = tpu.memref_slice %arg9[%arg0, %add3A_26, %dma_start3A] : memref<2x10000x16xf32, #tpu.memory_space<hbm>> -> memref<1x25x16xf32, #tpu.memory_space<hbm>>
        %dma_start3A_28 = tpu.memref_squeeze %dma_start3A_27 : memref<1x25x16xf32, #tpu.memory_space<hbm>> -> memref<25x16xf32, #tpu.memory_space<hbm>>
        %dma_start3A_29 = arith.constant 0 : i32
        %dma_start3A_30 = tpu.memref_slice %arg9[%arg0, %add3A_26, %dma_start3A_29] : memref<2x10000x16xf32, #tpu.memory_space<hbm>> -> memref<1x25x16xf32, #tpu.memory_space<hbm>>
        %dma_start3A_31 = tpu.memref_squeeze %dma_start3A_30 : memref<1x25x16xf32, #tpu.memory_space<hbm>> -> memref<25x16xf32, #tpu.memory_space<hbm>>
        tpu.enqueue_dma source(%arg16 : memref<25x16xf32, #tpu.memory_space<vmem>>) target(%dma_start3A_31 : memref<25x16xf32, #tpu.memory_space<hbm>>) target_semaphore(%run_scoped3A : memref<!tpu.dma_semaphore, #tpu.memory_space<semaphore_mem>>)
        %dma_wait3A = arith.constant 0 : i32
        %dma_wait3A_32 = tpu.memref_slice %arg9[%arg0, %add3A_26, %dma_wait3A] : memref<2x10000x16xf32, #tpu.memory_space<hbm>> -> memref<1x25x16xf32, #tpu.memory_space<hbm>>
        %dma_wait3A_33 = tpu.memref_squeeze %dma_wait3A_32 : memref<1x25x16xf32, #tpu.memory_space<hbm>> -> memref<25x16xf32, #tpu.memory_space<hbm>>
        %dma_wait3A_34 = arith.constant 0 : i32
        %dma_wait3A_35 = tpu.memref_slice %arg9[%arg0, %add3A_26, %dma_wait3A_34] : memref<2x10000x16xf32, #tpu.memory_space<hbm>> -> memref<1x25x16xf32, #tpu.memory_space<hbm>>
        %dma_wait3A_36 = tpu.memref_squeeze %dma_wait3A_35 : memref<1x25x16xf32, #tpu.memory_space<hbm>> -> memref<25x16xf32, #tpu.memory_space<hbm>>
        tpu.wait_dma2 semaphore(%run_scoped3A : memref<!tpu.dma_semaphore, #tpu.memory_space<semaphore_mem>>) src(%arg16 : memref<25x16xf32, #tpu.memory_space<vmem>>) dst(%dma_wait3A_36 : memref<25x16xf32, #tpu.memory_space<hbm>>)
        tpu.yield
      }) : () -> ()
    }
    %scan3A_17 = arith.constant 25 : i32
    return
  }
}

module attributes {stable_mosaic.version = 14 : i64} {
  func.func @_in_mm_body(%arg0: i32, %arg1: memref<2000x128xf32, #tpu.memory_space<vmem>>, %arg2: memref<128x128xf32, #tpu.memory_space<vmem>>, %arg3: memref<128x128xf32, #tpu.memory_space<vmem>>, %arg4: memref<2000x128xf32, #tpu.memory_space<vmem>>, %arg5: memref<2000x128xf32, #tpu.memory_space<vmem>>) attributes {dimension_semantics = [#tpu.dimension_semantics<arbitrary>], iteration_bounds = array<i64: 5>, scalar_prefetch = 0 : i64, scratch_operands = 0 : i64, tpu.core_type = #tpu.core_type<tc>, window_params = [{transform_indices = @transform_0, window_bounds = array<i64: 2000, 128>}, {pipeline_mode = #tpu.pipeline_mode<synchronous>, transform_indices = @transform_1, window_bounds = array<i64: 128, 128>}, {pipeline_mode = #tpu.pipeline_mode<synchronous>, transform_indices = @transform_2, window_bounds = array<i64: 128, 128>}, {transform_indices = @transform_3, window_bounds = array<i64: 2000, 128>}, {transform_indices = @transform_4, window_bounds = array<i64: 2000, 128>}]} {
    %get3A = arith.constant 0 : index
    %get3A_0 = arith.constant 0 : index
    %get3A_1 = vector.load %arg1[%get3A, %get3A_0] : memref<2000x128xf32, #tpu.memory_space<vmem>>, vector<2000x128xf32>
    %get3A_2 = arith.constant 0 : index
    %get3A_3 = arith.constant 0 : index
    %get3A_4 = vector.load %arg2[%get3A_2, %get3A_3] : memref<128x128xf32, #tpu.memory_space<vmem>>, vector<128x128xf32>
    %dot_general3A = arith.constant dense<0.000000e+00> : vector<2000x128xf32>
    %dot_general3A_5 = tpu.matmul %get3A_1, %get3A_4, %dot_general3A {dimension_numbers = #tpu.dot_dimension_numbers<[1], [0], [0], [1], [0, 0, 1, 1], [], []>, precision = #tpu.contract_precision<fp32>, transpose_lhs_hint = false} : vector<2000x128xf32>, vector<128x128xf32>, vector<2000x128xf32> -> vector<2000x128xf32>
    %swap3A = arith.constant 0 : index
    %swap3A_6 = arith.constant 0 : index
    %swap3A_7 = vector.load %arg4[%swap3A, %swap3A_6] : memref<2000x128xf32, #tpu.memory_space<vmem>>, vector<2000x128xf32>
    tpu.vector_store %arg4[%swap3A, %swap3A_6], %dot_general3A_5 {strides = array<i32>} : memref<2000x128xf32, #tpu.memory_space<vmem>>, vector<2000x128xf32>,
    %get3A_8 = arith.constant 0 : index
    %get3A_9 = arith.constant 0 : index
    %get3A_10 = vector.load %arg3[%get3A_8, %get3A_9] : memref<128x128xf32, #tpu.memory_space<vmem>>, vector<128x128xf32>
    %dot_general3A_11 = arith.constant dense<0.000000e+00> : vector<2000x128xf32>
    %dot_general3A_12 = tpu.matmul %get3A_1, %get3A_10, %dot_general3A_11 {dimension_numbers = #tpu.dot_dimension_numbers<[1], [0], [0], [1], [0, 0, 1, 1], [], []>, precision = #tpu.contract_precision<fp32>, transpose_lhs_hint = false} : vector<2000x128xf32>, vector<128x128xf32>, vector<2000x128xf32> -> vector<2000x128xf32>
    %swap3A_13 = arith.constant 0 : index
    %swap3A_14 = arith.constant 0 : index
    %swap3A_15 = vector.load %arg5[%swap3A_13, %swap3A_14] : memref<2000x128xf32, #tpu.memory_space<vmem>>, vector<2000x128xf32>
    tpu.vector_store %arg5[%swap3A_13, %swap3A_14], %dot_general3A_12 {strides = array<i32>} : memref<2000x128xf32, #tpu.memory_space<vmem>>, vector<2000x128xf32>,
    return
  }
  func.func @transform_0(%arg0: i32) -> (i32, i32) {
    %c0_i32 = arith.constant 0 : i32
    %c0_i32_0 = arith.constant 0 : i32
    return %arg0, %c0_i32 : i32, i32
  }
  func.func @transform_1(%arg0: i32) -> (i32, i32) {
    %c0_i32 = arith.constant 0 : i32
    %c0_i32_0 = arith.constant 0 : i32
    %c0_i32_1 = arith.constant 0 : i32
    return %c0_i32, %c0_i32_0 : i32, i32
  }
  func.func @transform_2(%arg0: i32) -> (i32, i32) {
    %c0_i32 = arith.constant 0 : i32
    %c0_i32_0 = arith.constant 0 : i32
    %c0_i32_1 = arith.constant 0 : i32
    return %c0_i32, %c0_i32_0 : i32, i32
  }
  func.func @transform_3(%arg0: i32) -> (i32, i32) {
    %c0_i32 = arith.constant 0 : i32
    %c0_i32_0 = arith.constant 0 : i32
    return %arg0, %c0_i32 : i32, i32
  }
  func.func @transform_4(%arg0: i32) -> (i32, i32) {
    %c0_i32 = arith.constant 0 : i32
    %c0_i32_0 = arith.constant 0 : i32
    return %arg0, %c0_i32 : i32, i32
  }
}

module attributes {stable_mosaic.version = 14 : i64} {
  func.func @_mid_body(%arg0: i32, %arg1: memref<2x2000x128xf32, #tpu.memory_space<vmem>>, %arg2: memref<2x2000x16xf32, #tpu.memory_space<vmem>>, %arg3: memref<2000x128xf32, #tpu.memory_space<vmem>>, %arg4: memref<1x128xf32, #tpu.memory_space<vmem>>, %arg5: memref<128x64xf32, #tpu.memory_space<vmem>>, %arg6: memref<128x64xf32, #tpu.memory_space<vmem>>, %arg7: memref<2000x64xf32, #tpu.memory_space<vmem>>, %arg8: memref<2000x64xf32, #tpu.memory_space<vmem>>) attributes {dimension_semantics = [#tpu.dimension_semantics<arbitrary>], iteration_bounds = array<i64: 5>, scalar_prefetch = 0 : i64, scratch_operands = 0 : i64, tpu.core_type = #tpu.core_type<tc>, window_params = [{transform_indices = @transform_0, window_bounds = array<i64: 2, 2000, 128>}, {transform_indices = @transform_1, window_bounds = array<i64: 2, 2000, 16>}, {transform_indices = @transform_2, window_bounds = array<i64: 2000, 128>}, {pipeline_mode = #tpu.pipeline_mode<synchronous>, transform_indices = @transform_3, window_bounds = array<i64: 1, 128>}, {pipeline_mode = #tpu.pipeline_mode<synchronous>, transform_indices = @transform_4, window_bounds = array<i64: 128, 64>}, {pipeline_mode = #tpu.pipeline_mode<synchronous>, transform_indices = @transform_5, window_bounds = array<i64: 128, 64>}, {transform_indices = @transform_6, window_bounds = array<i64: 2000, 64>}, {transform_indices = @transform_7, window_bounds = array<i64: 2000, 64>}]} {
    %get3A = arith.constant 0 : index
    %get3A_0 = arith.constant 0 : index
    %get3A_1 = arith.constant 0 : index
    %get3A_2 = vector.load %arg2[%get3A, %get3A_0, %get3A_1] : memref<2x2000x16xf32, #tpu.memory_space<vmem>>, vector<2x2000x16xf32>
    %slice3A = vector.extract_strided_slice %get3A_2 {offsets = [0, 0, 0], sizes = [1, 2000, 1], strides = [1, 1, 1]} : vector<2x2000x16xf32> to vector<1x2000x1xf32>
    %squeeze3A = vector.shape_cast %slice3A : vector<1x2000x1xf32> to vector<2000x1xf32>
    %slice3A_3 = vector.extract_strided_slice %get3A_2 {offsets = [1, 0, 0], sizes = [1, 2000, 1], strides = [1, 1, 1]} : vector<2x2000x16xf32> to vector<1x2000x1xf32>
    %squeeze3A_4 = vector.shape_cast %slice3A_3 : vector<1x2000x1xf32> to vector<2000x1xf32>
    %add3A = arith.addf %squeeze3A, %squeeze3A_4 : vector<2000x1xf32>
    %max3A = arith.constant 1.000000e+00 : f32
    %max3A_5 = vector.broadcast %max3A : f32 to vector<2000x1xf32>
    %max3A_6 = arith.maximumf %add3A, %max3A_5 : vector<2000x1xf32>
    %div3A = arith.constant 1.000000e+00 : f32
    %div3A_7 = vector.broadcast %div3A : f32 to vector<2000x1xf32>
    %div3A_8 = arith.divf %div3A_7, %max3A_6 : vector<2000x1xf32>
    %get3A_9 = arith.constant 0 : index
    %get3A_10 = arith.constant 0 : index
    %get3A_11 = arith.constant 0 : index
    %get3A_12 = vector.load %arg1[%get3A_9, %get3A_10, %get3A_11] : memref<2x2000x128xf32, #tpu.memory_space<vmem>>, vector<2x2000x128xf32>
    %slice3A_13 = vector.extract_strided_slice %get3A_12 {offsets = [0, 0, 0], sizes = [1, 2000, 128], strides = [1, 1, 1]} : vector<2x2000x128xf32> to vector<1x2000x128xf32>
    %squeeze3A_14 = vector.shape_cast %slice3A_13 : vector<1x2000x128xf32> to vector<2000x128xf32>
    %slice3A_15 = vector.extract_strided_slice %get3A_12 {offsets = [1, 0, 0], sizes = [1, 2000, 128], strides = [1, 1, 1]} : vector<2x2000x128xf32> to vector<1x2000x128xf32>
    %squeeze3A_16 = vector.shape_cast %slice3A_15 : vector<1x2000x128xf32> to vector<2000x128xf32>
    %add3A_17 = arith.addf %squeeze3A_14, %squeeze3A_16 : vector<2000x128xf32>
    %mul3A = vector.broadcast %div3A_8 : vector<2000x1xf32> to vector<2000x128xf32>
    %mul3A_18 = arith.mulf %add3A_17, %mul3A : vector<2000x128xf32>
    %get3A_19 = arith.constant 0 : index
    %get3A_20 = arith.constant 0 : index
    %get3A_21 = vector.load %arg4[%get3A_19, %get3A_20] : memref<1x128xf32, #tpu.memory_space<vmem>>, vector<1x128xf32>
    %add3A_22 = vector.broadcast %get3A_21 : vector<1x128xf32> to vector<2000x128xf32>
    %add3A_23 = arith.addf %mul3A_18, %add3A_22 : vector<2000x128xf32>
    %get3A_24 = arith.constant 0 : index
    %get3A_25 = arith.constant 0 : index
    %get3A_26 = vector.load %arg3[%get3A_24, %get3A_25] : memref<2000x128xf32, #tpu.memory_space<vmem>>, vector<2000x128xf32>
    %add3A_27 = arith.addf %add3A_23, %get3A_26 : vector<2000x128xf32>
    %max3A_28 = arith.constant 0.000000e+00 : f32
    %max3A_29 = vector.broadcast %max3A_28 : f32 to vector<2000x128xf32>
    %max3A_30 = arith.maximumf %add3A_27, %max3A_29 : vector<2000x128xf32>
    %get3A_31 = arith.constant 0 : index
    %get3A_32 = arith.constant 0 : index
    %get3A_33 = vector.load %arg5[%get3A_31, %get3A_32] : memref<128x64xf32, #tpu.memory_space<vmem>>, vector<128x64xf32>
    %dot_general3A = arith.constant dense<0.000000e+00> : vector<2000x64xf32>
    %dot_general3A_34 = tpu.matmul %max3A_30, %get3A_33, %dot_general3A {dimension_numbers = #tpu.dot_dimension_numbers<[1], [0], [0], [1], [0, 0, 1, 1], [], []>, precision = #tpu.contract_precision<fp32>, transpose_lhs_hint = false} : vector<2000x128xf32>, vector<128x64xf32>, vector<2000x64xf32> -> vector<2000x64xf32>
    %swap3A = arith.constant 0 : index
    %swap3A_35 = arith.constant 0 : index
    %swap3A_36 = vector.load %arg7[%swap3A, %swap3A_35] : memref<2000x64xf32, #tpu.memory_space<vmem>>, vector<2000x64xf32>
    tpu.vector_store %arg7[%swap3A, %swap3A_35], %dot_general3A_34 {strides = array<i32>} : memref<2000x64xf32, #tpu.memory_space<vmem>>, vector<2000x64xf32>,
    %get3A_37 = arith.constant 0 : index
    %get3A_38 = arith.constant 0 : index
    %get3A_39 = vector.load %arg6[%get3A_37, %get3A_38] : memref<128x64xf32, #tpu.memory_space<vmem>>, vector<128x64xf32>
    %dot_general3A_40 = arith.constant dense<0.000000e+00> : vector<2000x64xf32>
    %dot_general3A_41 = tpu.matmul %max3A_30, %get3A_39, %dot_general3A_40 {dimension_numbers = #tpu.dot_dimension_numbers<[1], [0], [0], [1], [0, 0, 1, 1], [], []>, precision = #tpu.contract_precision<fp32>, transpose_lhs_hint = false} : vector<2000x128xf32>, vector<128x64xf32>, vector<2000x64xf32> -> vector<2000x64xf32>
    %swap3A_42 = arith.constant 0 : index
    %swap3A_43 = arith.constant 0 : index
    %swap3A_44 = vector.load %arg8[%swap3A_42, %swap3A_43] : memref<2000x64xf32, #tpu.memory_space<vmem>>, vector<2000x64xf32>
    tpu.vector_store %arg8[%swap3A_42, %swap3A_43], %dot_general3A_41 {strides = array<i32>} : memref<2000x64xf32, #tpu.memory_space<vmem>>, vector<2000x64xf32>,
    return
  }
  func.func @transform_0(%arg0: i32) -> (i32, i32, i32) {
    %c0_i32 = arith.constant 0 : i32
    %c0_i32_0 = arith.constant 0 : i32
    %c0_i32_1 = arith.constant 0 : i32
    return %c0_i32, %arg0, %c0_i32_0 : i32, i32, i32
  }
  func.func @transform_1(%arg0: i32) -> (i32, i32, i32) {
    %c0_i32 = arith.constant 0 : i32
    %c0_i32_0 = arith.constant 0 : i32
    %c0_i32_1 = arith.constant 0 : i32
    return %c0_i32, %arg0, %c0_i32_0 : i32, i32, i32
  }
  func.func @transform_2(%arg0: i32) -> (i32, i32) {
    %c0_i32 = arith.constant 0 : i32
    %c0_i32_0 = arith.constant 0 : i32
    return %arg0, %c0_i32 : i32, i32
  }
  func.func @transform_3(%arg0: i32) -> (i32, i32) {
    %c0_i32 = arith.constant 0 : i32
    %c0_i32_0 = arith.constant 0 : i32
    %c0_i32_1 = arith.constant 0 : i32
    return %c0_i32, %c0_i32_0 : i32, i32
  }
  func.func @transform_4(%arg0: i32) -> (i32, i32) {
    %c0_i32 = arith.constant 0 : i32
    %c0_i32_0 = arith.constant 0 : i32
    %c0_i32_1 = arith.constant 0 : i32
    return %c0_i32, %c0_i32_0 : i32, i32
  }
  func.func @transform_5(%arg0: i32) -> (i32, i32) {
    %c0_i32 = arith.constant 0 : i32
    %c0_i32_0 = arith.constant 0 : i32
    %c0_i32_1 = arith.constant 0 : i32
    return %c0_i32, %c0_i32_0 : i32, i32
  }
  func.func @transform_6(%arg0: i32) -> (i32, i32) {
    %c0_i32 = arith.constant 0 : i32
    %c0_i32_0 = arith.constant 0 : i32
    return %arg0, %c0_i32 : i32, i32
  }
  func.func @transform_7(%arg0: i32) -> (i32, i32) {
    %c0_i32 = arith.constant 0 : i32
    %c0_i32_0 = arith.constant 0 : i32
    return %arg0, %c0_i32 : i32, i32
  }
}

module attributes {stable_mosaic.version = 14 : i64} {
  func.func @_final_body(%arg0: i32, %arg1: memref<2x2000x64xf32, #tpu.memory_space<vmem>>, %arg2: memref<2x2000x16xf32, #tpu.memory_space<vmem>>, %arg3: memref<2000x64xf32, #tpu.memory_space<vmem>>, %arg4: memref<1x64xf32, #tpu.memory_space<vmem>>, %arg5: memref<2000x64xf32, #tpu.memory_space<vmem>>) attributes {dimension_semantics = [#tpu.dimension_semantics<arbitrary>], iteration_bounds = array<i64: 5>, scalar_prefetch = 0 : i64, scratch_operands = 0 : i64, tpu.core_type = #tpu.core_type<tc>, window_params = [{transform_indices = @transform_0, window_bounds = array<i64: 2, 2000, 64>}, {transform_indices = @transform_1, window_bounds = array<i64: 2, 2000, 16>}, {transform_indices = @transform_2, window_bounds = array<i64: 2000, 64>}, {pipeline_mode = #tpu.pipeline_mode<synchronous>, transform_indices = @transform_3, window_bounds = array<i64: 1, 64>}, {transform_indices = @transform_4, window_bounds = array<i64: 2000, 64>}]} {
    %get3A = arith.constant 0 : index
    %get3A_0 = arith.constant 0 : index
    %get3A_1 = arith.constant 0 : index
    %get3A_2 = vector.load %arg2[%get3A, %get3A_0, %get3A_1] : memref<2x2000x16xf32, #tpu.memory_space<vmem>>, vector<2x2000x16xf32>
    %slice3A = vector.extract_strided_slice %get3A_2 {offsets = [0, 0, 0], sizes = [1, 2000, 1], strides = [1, 1, 1]} : vector<2x2000x16xf32> to vector<1x2000x1xf32>
    %squeeze3A = vector.shape_cast %slice3A : vector<1x2000x1xf32> to vector<2000x1xf32>
    %slice3A_3 = vector.extract_strided_slice %get3A_2 {offsets = [1, 0, 0], sizes = [1, 2000, 1], strides = [1, 1, 1]} : vector<2x2000x16xf32> to vector<1x2000x1xf32>
    %squeeze3A_4 = vector.shape_cast %slice3A_3 : vector<1x2000x1xf32> to vector<2000x1xf32>
    %add3A = arith.addf %squeeze3A, %squeeze3A_4 : vector<2000x1xf32>
    %max3A = arith.constant 1.000000e+00 : f32
    %max3A_5 = vector.broadcast %max3A : f32 to vector<2000x1xf32>
    %max3A_6 = arith.maximumf %add3A, %max3A_5 : vector<2000x1xf32>
    %div3A = arith.constant 1.000000e+00 : f32
    %div3A_7 = vector.broadcast %div3A : f32 to vector<2000x1xf32>
    %div3A_8 = arith.divf %div3A_7, %max3A_6 : vector<2000x1xf32>
    %get3A_9 = arith.constant 0 : index
    %get3A_10 = arith.constant 0 : index
    %get3A_11 = arith.constant 0 : index
    %get3A_12 = vector.load %arg1[%get3A_9, %get3A_10, %get3A_11] : memref<2x2000x64xf32, #tpu.memory_space<vmem>>, vector<2x2000x64xf32>
    %slice3A_13 = vector.extract_strided_slice %get3A_12 {offsets = [0, 0, 0], sizes = [1, 2000, 64], strides = [1, 1, 1]} : vector<2x2000x64xf32> to vector<1x2000x64xf32>
    %squeeze3A_14 = vector.shape_cast %slice3A_13 : vector<1x2000x64xf32> to vector<2000x64xf32>
    %slice3A_15 = vector.extract_strided_slice %get3A_12 {offsets = [1, 0, 0], sizes = [1, 2000, 64], strides = [1, 1, 1]} : vector<2x2000x64xf32> to vector<1x2000x64xf32>
    %squeeze3A_16 = vector.shape_cast %slice3A_15 : vector<1x2000x64xf32> to vector<2000x64xf32>
    %add3A_17 = arith.addf %squeeze3A_14, %squeeze3A_16 : vector<2000x64xf32>
    %mul3A = vector.broadcast %div3A_8 : vector<2000x1xf32> to vector<2000x64xf32>
    %mul3A_18 = arith.mulf %add3A_17, %mul3A : vector<2000x64xf32>
    %get3A_19 = arith.constant 0 : index
    %get3A_20 = arith.constant 0 : index
    %get3A_21 = vector.load %arg4[%get3A_19, %get3A_20] : memref<1x64xf32, #tpu.memory_space<vmem>>, vector<1x64xf32>
    %add3A_22 = vector.broadcast %get3A_21 : vector<1x64xf32> to vector<2000x64xf32>
    %add3A_23 = arith.addf %mul3A_18, %add3A_22 : vector<2000x64xf32>
    %get3A_24 = arith.constant 0 : index
    %get3A_25 = arith.constant 0 : index
    %get3A_26 = vector.load %arg3[%get3A_24, %get3A_25] : memref<2000x64xf32, #tpu.memory_space<vmem>>, vector<2000x64xf32>
    %add3A_27 = arith.addf %add3A_23, %get3A_26 : vector<2000x64xf32>
    %swap3A = arith.constant 0 : index
    %swap3A_28 = arith.constant 0 : index
    %swap3A_29 = vector.load %arg5[%swap3A, %swap3A_28] : memref<2000x64xf32, #tpu.memory_space<vmem>>, vector<2000x64xf32>
    tpu.vector_store %arg5[%swap3A, %swap3A_28], %add3A_27 {strides = array<i32>} : memref<2000x64xf32, #tpu.memory_space<vmem>>, vector<2000x64xf32>,
    return
  }
  func.func @transform_0(%arg0: i32) -> (i32, i32, i32) {
    %c0_i32 = arith.constant 0 : i32
    %c0_i32_0 = arith.constant 0 : i32
    %c0_i32_1 = arith.constant 0 : i32
    return %c0_i32, %arg0, %c0_i32_0 : i32, i32, i32
  }
  func.func @transform_1(%arg0: i32) -> (i32, i32, i32) {
    %c0_i32 = arith.constant 0 : i32
    %c0_i32_0 = arith.constant 0 : i32
    %c0_i32_1 = arith.constant 0 : i32
    return %c0_i32, %arg0, %c0_i32_0 : i32, i32, i32
  }
  func.func @transform_2(%arg0: i32) -> (i32, i32) {
    %c0_i32 = arith.constant 0 : i32
    %c0_i32_0 = arith.constant 0 : i32
    return %arg0, %c0_i32 : i32, i32
  }
  func.func @transform_3(%arg0: i32) -> (i32, i32) {
    %c0_i32 = arith.constant 0 : i32
    %c0_i32_0 = arith.constant 0 : i32
    %c0_i32_1 = arith.constant 0 : i32
    return %c0_i32, %c0_i32_0 : i32, i32
  }
  func.func @transform_4(%arg0: i32) -> (i32, i32) {
    %c0_i32 = arith.constant 0 : i32
    %c0_i32_0 = arith.constant 0 : i32
    return %arg0, %c0_i32 : i32, i32
  }
}

</mosaic_0001>

<sc_bundles>
// kernel: kernel.10.cloned.1.call-start
scs
__scs_entry_jumppad:
0x0: {  	(pc) =	sbr.rel $0x88, $3  }
0x1: {  	(tag) =	ssettag $0x0;
	lr =	simm.s32 $0x1  }
0x2: {  	[smem:$0x3F99] =	sst lr;
	_ =	strace $0xD0000000  }
0x3: {  	_ = 	snop  }
0x4: {  	_ = 	snop  }
0x5: {  	_ = 	snop  }
0x6: {  	_ = 	snop  }
0x7: {  	_ = 	snop  }
__scs_overlays_trampoline_lowered:
0x8: {  	[smem:$0x3FA8] =	sst s0  }
0x9: {  	[smem:$0x3FA9] =	sst s1  }
0xa: {  	[smem:$0x3FAA] =	sst s2  }
0xb: {  	[smem:$0x3FAB] =	sst s3  }
0xc: {  	[smem:$0x3FAC] =	sst s4  }
0xd: {  	[smem:$0x3FAD] =	sst s5  }
0xe: {  	[smem:$0x3FAE] =	sst s6  }
0xf: {  	[smem:$0x3FAF] =	sst s7  }
0x10: {  	[smem:$0x3FB0] =	sst s8  }
0x11: {  	[smem:$0x3FB1] =	sst s9;
	s0 =	simm.s32 @!p0 $0x0  }
0x12: {  	s1 =	sld [smem:$0x3F97];
	s0 =	simm.s32 @p0 $0x1  }
0x13: {  	[smem:$0x3FB2] =	sst s0;
	s0 =	simm.s32 @!p1 $0x0  }
0x14: {  	s2 =	sld [smem:$0x3F96];
	s0 =	simm.s32 @p1 $0x1  }
0x15: {  	[smem:$0x3FB3] =	sst s0;
	s0 =	simm.s32 @!p2 $0x0  }
0x16: {  	s3 =	sld [smem:$0x3FDB];
	s0 =	simm.s32 @p2 $0x1  }
0x17: {  	s4 =	simm.s32 $0x1BF5;
	[smem:$0x3FB5] =	sst s0  }
0x18: {  	s0 =	sld [smem:$0x3F98];
	_ =	swait.ge [sflag:s4], $0x0  }
0x19: {  	s7 =	sld [smem:$0x3F99]  }
0x1a: {  	s8 =	sadd.s32 $0xFFFFE003, lr  }
0x1b: {  	s9 =	sadd.s32 $0xFFFFFEF7, lr;
	s5 =	simm.s32 $0xFFFFFFFF;
	p2 =	slt.u32 s8, $0xFFFFF086  }
0x1c: {  	p1 =	slt.u32 s9, $0xF7A;
	s5 =	simm.s32 @!p2 $0x0  }
0x1d: {  	s5 =	simm.s32 @p1 $0x1;
	p0 =	seq.s32 s7, s2  }
0x1e: {  	s7 =	smul.u32 @!p0 $0xF7A, s2;
	p2 =	seq.s32 @!p0 s5, $0x0  }
0x1f: {  	s9 =	smul.u32 $0xF7A, s1;
	s8 =	simm.s32 @!p0 $0x1BF5;
	p2 =	por !p2, p0  }
0x20: {  	[sflag:s8] =	ssyncset.s32 @!p0 $0xFFFFF086;
	s6 =	sadd.s32 @!p0 s3, s7;
	s7 =	simm.s32 @!p0 $0x108  }
0x21: {  	s3 =	sadd.s32 s3, s9;
	s6 =	sadd.s32 @!p0 $0x88, s6;
	s7 =	simm.s32 @p2 $0x1082  }
0x22: {  	[simem:s7], [sflag:s8] =	dma.local @!p0 [hbm:s6], $0xF7A  }
0x23: {  	s9 =	sor.u32 $0xD0000000, s2;
	s6 =	simm.s32 $0x108;
	_ =	swait.ge @!p0 [sflag:s8], $0x0  }
0x24: {  	s3 =	sadd.s32 $0x88, s3;
	s6 =	simm.s32 @!p1 $0x1082;
	[sflag:s4] =	ssyncset.s32 $0xFFFFF086  }
0x25: {  	[simem:s6], [sflag:s4] =	dma.local [hbm:s3], $0xF7A  }
0x26: {  	[smem:$0x3F99] =	sst s1;
	(tag) =	ssettag s2;
	_ =	strace s9  }
0x27: {  	s1 =	sld [smem:$0x3FA9]  }
0x28: {  	s2 =	sld [smem:$0x3FAA]  }
0x29: {  	s4 =	sld [smem:$0x3FAC]  }
0x2a: {  	p0 =	seq.s32 s5, $0x0;
	s5 =	sld [smem:$0x3FAD]  }
0x2b: {  	s6 =	sld [smem:$0x3FAE]  }
0x2c: {  	s7 =	sld [smem:$0x3FAF]  }
0x2d: {  	s3 =	simm.s32 $0x108;
	s8 =	sld [smem:$0x3FB0]  }
0x2e: {  	s3 =	simm.s32 @!p0 $0x1082;
	s9 =	sld [smem:$0x3FB1]  }
0x2f: {  	lr =	sadd.s32 s0, s3;
	s0 =	sld [smem:$0x3FA8]  }
0x30: {  	s3 =	sld [smem:$0x3FAB]  }
0x31: {  	[smem:$0x3FB4] =	sst s10  }
0x32: {  	s10 =	sld [smem:$0x3FB2];
	_ =	sdelay $0x3  }
0x33: {  	p0 =	seq.s32 s10, $0x1;
	s10 =	sld [smem:$0x3FB4];
	_ =	sdelay $0x3  }
0x34: {  	[smem:$0x3FB4] =	sst s10  }
0x35: {  	s10 =	sld [smem:$0x3FB3];
	_ =	sdelay $0x3  }
0x36: {  	p1 =	seq.s32 s10, $0x1;
	s10 =	sld [smem:$0x3FB4];
	_ =	sdelay $0x3  }
0x37: {  	[smem:$0x3FB4] =	sst s10  }
0x38: {  	s10 =	sld [smem:$0x3FB5]  }
0x39: {  	_ = 	snop;
	(pc) =	sbr.ind lr, $3  }
0x3a: {  	_ = 	snop  }
0x3b: {  	_ = 	snop  }
0x3c: {  	p2 =	seq.s32 s10, $0x1;
	s10 =	sld [smem:$0x3FB4]  }
0x3d: {  	_ =	shalt  }
0x3e: {  	_ =	shalt  }
0x3f: {  	_ =	shalt  }
0x40: {  	_ =	shalt  }
0x41: {  	_ =	shalt  }
0x42: {  	_ =	shalt  }
0x43: {  	_ =	shalt  }
0x44: {  	_ =	shalt  }
0x45: {  	_ =	shalt  }
0x46: {  	_ =	shalt  }
0x47: {  	_ =	shalt  }
0x48: {  	_ =	shalt  }
0x49: {  	_ =	shalt  }
0x4a: {  	_ =	shalt  }
0x4b: {  	_ =	shalt  }
0x4c: {  	_ =	shalt  }
0x4d: {  	_ =	shalt  }
0x4e: {  	_ =	shalt  }
0x4f: {  	_ =	shalt  }
0x50: {  	_ =	shalt  }
0x51: {  	_ =	shalt  }
0x52: {  	_ =	shalt  }
0x53: {  	_ =	shalt  }
0x54: {  	_ =	shalt  }
0x55: {  	_ =	shalt  }
0x56: {  	_ =	shalt  }
0x57: {  	_ =	shalt  }
0x58: {  	_ =	shalt  }
0x59: {  	_ =	shalt  }
0x5a: {  	_ =	shalt  }
0x5b: {  	_ =	shalt  }
0x5c: {  	_ =	shalt  }
0x5d: {  	_ =	shalt  }
0x5e: {  	_ =	shalt  }
0x5f: {  	_ =	shalt  }
0x60: {  	_ =	shalt  }
0x61: {  	_ =	shalt  }
0x62: {  	_ =	shalt  }
0x63: {  	_ =	shalt  }
0x64: {  	_ =	shalt  }
0x65: {  	_ =	shalt  }
0x66: {  	_ =	shalt  }
0x67: {  	_ =	shalt  }
0x68: {  	_ =	shalt  }
0x69: {  	_ =	shalt  }
0x6a: {  	_ =	shalt  }
0x6b: {  	_ =	shalt  }
0x6c: {  	_ =	shalt  }
0x6d: {  	_ =	shalt  }
0x6e: {  	_ =	shalt  }
0x6f: {  	_ =	shalt  }
0x70: {  	_ =	shalt  }
0x71: {  	_ =	shalt  }
0x72: {  	_ =	shalt  }
0x73: {  	_ =	shalt  }
0x74: {  	_ =	shalt  }
0x75: {  	_ =	shalt  }
0x76: {  	_ =	shalt  }
0x77: {  	_ =	shalt  }
0x78: {  	_ =	shalt  }
0x79: {  	_ =	shalt  }
0x7a: {  	_ =	shalt  }
0x7b: {  	_ =	shalt  }
0x7c: {  	_ =	shalt  }
0x7d: {  	_ =	shalt  }
0x7e: {  	_ =	shalt  }
0x7f: {  	_ =	shalt  }
0x80: {  	_ =	shalt  }
0x81: {  	_ =	shalt  }
0x82: {  	_ =	shalt  }
0x83: {  	_ =	shalt  }
0x84: {  	_ =	shalt  }
0x85: {  	_ =	shalt  }
0x86: {  	_ =	shalt  }
0x87: {  	_ =	shalt  }
.Lfunc_end0:
.L_simem_size_0:
called_computation.1_lowered:
.L_overlay_start_0:
0x88: {  	s2 =	sld [smem:$0x3FD9]  }
0x89: {  	s3 =	sld [smem:$0x3FFE];
	_ =	sdelay $0x1  }
0x8a: {  	s1 =	srdreg.scid  }
0x8b: {  	s0 =	sand.u32 $0x1, s1  }
0x8c: {  	s17 =	sshll.u32 s0, $0xA;
	s2 =	sadd.s32 s3, s2  }
0x8d: {  	s2 =	sadd.s32 s2, s17  }
0x8e: {  	[smem:$0x3FC0] =	sst s2  }
0x8f: {  	_ = 	snop  }
0x90: {  	s2 =	sld [smem:$0x3FD0];
	(tm) =	ssettm $0x1  }
0x91: {  	s18 =	sld [smem:$0x3FFB];
	_ =	sdelay $0x3  }
0x92: {  	_ =	strace s18  }
0x93: {  	s3 =	sld [smem:$0x3FFC];
	_ =	sdelay $0x3  }
0x94: {  	_ =	strace s3  }
0x95: {  	s3 =	sld [smem:$0x3FFD];
	_ =	sdelay $0x3  }
0x96: {  	_ =	strace s3  }
0x97: {  	_ =	strace $0x8FFFFFFF  }
0x98: {  	s19 =	sld [smem:$0x3FDB];
	_ =	sdelay $0x1  }
0x99: {  	s4 =	simm.s32 $_scs_section_size  }
0x9a: {  	s5 =	simm.s32 $_size__tile_overlayer_lowered;
	s6 =	simm.s32 $_tile_overlayer_lowered  }
0x9b: {  	s22 =	simm.s32 $0x1BFF;
	s21 =	sshll.u32 s6, $0x1;
	s3 =	sadd.s32 s4, s19  }
0x9c: {  	s7 =	simm.s32 $0x0;
	s20 =	sshll.u32 s5, $0x1;
	s5 =	sadd.s32 s21, s3  }
0x9d: {  	[timem:s7], [sflag:s22] =	dma.local [hbm:s5], s20  }
0x9e: {  	_ =	swait.ge [sflag:s22], s20  }
0x9f: {  	s4 =	ssub.s32 $0x0, s20;
	[sflag:s22] =	ssyncset.done $0x0  }
0xa0: {  	[sflag:s22] =	ssyncadd.s32 s4;
	_ =	sdelay $0x1  }
0xa1: {  	s23 =	simm.s32 $0x1B8B  }
0xa2: {  	_ =	swait.ge [sflag:s23], $0x1  }
0xa3: {  	[sflag:s23] =	ssyncset.done $0x0  }
0xa4: {  	s25 =	simm.s32 $0x1B8E;
	s24 =	sld [smem:$0x3FFE];
	[sflag:s23] =	ssyncadd.s32 $0xFFFFFFFF  }
0xa5: {  	s26 =	simm.s32 $execute0_lowered;
	[smem:$0x3FD2] =	sst s25  }
0xa6: {  	s5 =	sshll.u32 s26, $0x1;
	_ =	strace $0x80000049;
	[dreg:$0x1] =	wrdreg $0xFFFFFFFF  }
0xa7: {  	s28 =	simm.s32 $_size_execute0_lowered;
	s3 =	sadd.s32 s3, s5;
	[dreg:$0x0] =	wrdreg $0x0  }
0xa8: {  	s5 =	sshll.u32 s28, $0x1;
	[dreg:$0x2] =	wrdreg s3  }
0xa9: {  	[dreg:$0x3] =	wrdreg s5  }
0xaa: {  	[dreg:$0x4] =	wrdreg $0xC0  }
0xab: {  	_ =	task [dreg:s7], $0x5FFFF  }
0xac: {  	[dreg:$0x1] =	wrdreg $0xFFFFFFFF  }
0xad: {  	[dreg:$0x0] =	wrdreg $0x60  }
0xae: {  	[dreg:$0x2] =	wrdreg s2  }
0xaf: {  	[dreg:$0x3] =	wrdreg s24  }
0xb0: {  	[dreg:$0x4] =	wrdreg $0x68600  }
0xb1: {  	[dreg:$0x5] =	wrdreg $0x9  }
0xb2: {  	_ =	task.clear_ibuf [dreg:s7], $0x6FFFF;
	_ =	strace $0x90000049  }
0xb3: {  	s29 =	simm.s32 $0x9;
	_ =	strace $0x8000004B  }
0xb4: {  	_ =	swait.ge [sflag:s29], $0x1  }
0xb5: {  	[sflag:s29] =	ssyncadd.s32 $0xFFFFFFFF  }
0xb6: {  	_ =	strace $0x9000004B  }
0xb7: {  	_ =	sfence  }
0xb8: {  	s30 =	sld [smem:$0x0];
	_ =	sdelay $0x2  }
0xb9: {  	s31 =	sshll.u32 s1, $0xD;
	s1 =	sshrl.u32 s1, $0x2  }
0xba: {  	s3 =	sand.u32 $0x4000, s31;
	s1 =	sadd.s32 s1, s30  }
0xbb: {  	s0 =	sor.u32 s3, s0;
	s1 =	sshll.u32 s1, $0x11  }
0xbc: {  	s0 =	sor.u32 s1, s0  }
0xbd: {  	s0 =	sadd.s32 $0x8F2B, s0  }
0xbe: {  	[sflag:s0] =	ssyncadd.remote.s32 $0x1  }
0xbf: {  	_ =	sfence.sel $0xFFFF  }
0xc0: {  	[dreg:$0x0] =	wrdreg $0xFFFFFFFF;
	(pc) =	sbr.abs _section_cstart, $3  }
0xc1: {  	[dreg:$0x1] =	wrdreg $0xFFFFFFFF  }
0xc2: {  	_ =	task.clear_ibuf [dreg:s7], $0x2FFFF;
	_ =	strace $0x9FFFFFFF  }
0xc3: {  	(tm) =	ssettm $0x7FFFFFFF  }
tec
execute0_lowered:
.L_overlay_start_1:
0x0: {  	(tag) =	ssettag $0x1  }
0x1: {  	s1 =	rddreg [dreg:$0x0]  }
0x2: {  	s0 =	srdreg.scid;
	s6 =	rddreg [dreg:$0x1]  }
0x3: {  	s3 =	rddreg [dreg:$0x2];
	s4 =	simm.s32 $0x0;
	s13 =	simm.s32 $0x6220  }
0x4: {  	s14 =	simm.s32 $0x50;
	s15 =	simm.s32 $0x4E20;
	s5 =	sand.u32 $0x1, s0  }
0x5: {  	s16 =	simm.s32 $0x0;
	s0 =	stileid.u32;
	s8 =	smul.u32 $0x9C400, s5  }
0x6: {  	[smem:$0x7FF] =	sst s4;
	s2 =	sshll.u32 s5, $0x4;
	s9 =	smul.u32 $0x9C40, s0  }
0x7: {  	s29 =	ssub.s32 $0x2, s5;
	s11 =	smul.u32 $0x27100, s0;
	s2 =	sor.u32 s0, s2  }
0x8: {  	s5 =	sadd.s32 $0x15400, s6;
	s10 =	sshrl.u32 s29, $0x1;
	s7 =	smul.u32 $0x4E2, s2  }
0x9: {  	s2 =	rddreg [dreg:$0x3];
	_ =	strace $0x8000004A;
	s8 =	sadd.s32 s9, s8  }
0xa: {  	s30 =	ssub.s32 s29, s10;
	s31 =	sshrl.u32 s11, $0x2;
	s11 =	simm.s32 $0x1  }
0xb: {  	s8 =	sshrl.u32 s8, $0x3;
	s9 =	sadd.s32 s31, s3;
	s7 =	sadd.s32 s7, s6  }
0xc: {  	s12 =	sadd.s32 s8, s6;
	s8 =	smax.u32 s30, $0x1;
	s6 =	sadd.s32 $0xB600, s7  }
0xd: {  	s7 =	sadd.s32 $0x1800, s7;
	s10 =	sadd.s32 $0x15600, s12;
	s12 =	simm.s32 $0x2710  }
.LBB2_1:
0xe: {  	[tilespmem:s4], [sflag:$0x1] =	stream.linear.gather [hbm4b:s6+s4], $0x2710, $0x38;
	[tilespmem:$0x104A0] =	vst v63  }
0xf: {  	_ =	swait.ge [sflag:s11], $0x2710  }
0x10: {  	[sflag:s11] =	ssyncset.done $0x0  }
0x11: {  	[sflag:s11] =	ssyncadd.s32 $0xFFFFD8F0  }
0x12: {  	[tilespmem:s12], [sflag:$0x1] =	stream.linear.gather [hbm4b:s7+s4], $0x2710, $0x38;
	[tilespmem:$0x104A0] =	vst v63  }
0x13: {  	_ =	swait.ge [sflag:s11], $0x2710  }
0x14: {  	[sflag:s11] =	ssyncset.done $0x0  }
0x15: {  	[sflag:s11] =	ssyncadd.s32 $0xFFFFD8F0  }
0x16: {  	[tilespmem:s13], [sflag:$0x1] =	stream.linear.gather [hbm4b:s5+s4], $0x640, $0x38;
	[tilespmem:$0x104A0] =	vst v63  }
0x17: {  	_ =	swait.ge [sflag:s11], $0x640  }
0x18: {  	[sflag:s11] =	ssyncset.done $0x0  }
0x19: {  	s17 =	sadd.s32 $0x0, s9;
	[sflag:s11] =	ssyncadd.s32 $0xFFFFF9C0  }
0x1a: {  	[spmem:s17] =	stream.linear.scatter [tilespmem:s13], [sflag:$0x1], $0x640, $0x38;
	[tilespmem:$0x104A0] =	vst v63  }
0x1b: {  	s17 =	simm.s32 $0x1900;
	_ =	swait.ge [sflag:s11], $0x640  }
.LBB2_2:
0x1c: {  	s18 =	sshra.s32 s17, $0x2;
	[sflag:s11] =	ssyncset.done $0x0;
	p0 =	sne.s32 s17, $0x25800  }
.Ltmp0:
0x1d: {  	s18 =	sadd.s32 s18, s9;
	[sflag:s11] =	ssyncadd.s32 $0xFFFFF9C0;
	(pc) =	sbr.rel @p0 .LBB2_2-.Ltmp0, $3  }
0x1e: {  	[spmem:s18] =	stream.linear.scatter [tilespmem:s13], [sflag:$0x1], $0x640, $0x38;
	[tilespmem:$0x104A0] =	vst v63  }
0x1f: {  	s17 =	sadd.s32 $0x1900, s17;
	_ =	sdelay $0x1  }
0x20: {  	_ =	swait.ge [sflag:s11], $0x640  }
0x21: {  	[sflag:s11] =	ssyncset.done $0x0  }
0x22: {  	[sflag:s11] =	ssyncadd.s32 $0xFFFFF9C0  }
0x23: {  	s17 =	simm.s32 $0x0;
	[bflag:$0x0] =	sbarrier.arrive $0xFFFF  }
0x24: {  	[tilespmem:s15], [sflag:$0x1] =	stream.indirect.gather [hbm4b:s1+s14], $0x40, s17, s14, $0xb8;
	[tilespmem:$0x104A0] =	vst v63  }
0x25: {  	_ =	swait.ge [sflag:s11], $0x1400  }
0x26: {  	[sflag:s11] =	ssyncset.done $0x0  }
0x27: {  	s31 =	simm.s32 $0x2710;
	[sflag:s11] =	ssyncadd.s32 $0xFFFFEC00  }
0x28: {  	[spmem:s3] =	stream.indirect.scatter.add.f32 [tilespmem:s15], [sflag:$0x1], $0x40, s31, s14, $0xb8;
	[tilespmem:$0x104A0] =	vst v63  }
0x29: {  	_ =	swait.ge [sflag:s11], $0x1400  }
0x2a: {  	s18 =	simm.s32 $0x280;
	s17 =	simm.s32 $0x140;
	[sflag:s11] =	ssyncset.done $0x0  }
.LBB2_4:
0x2b: {  	s19 =	sshra.s32 s17, $0x2  }
0x2c: {  	[sflag:s11] =	ssyncadd.s32 $0xFFFFEC00;
	s17 =	smov.u32 s18;
	s20 =	sadd.s32 $0x140, s18  }
0x2d: {  	[tilespmem:s15], [sflag:$0x1] =	stream.indirect.gather [hbm4b:s1+s14], $0x40, s19, s14, $0xb8;
	[tilespmem:$0x104A0] =	vst v63  }
0x2e: {  	p0 =	sne.s32 s18, $0x9B00;
	_ =	swait.ge [sflag:s11], $0x1400  }
.Ltmp1:
0x2f: {  	[sflag:s11] =	ssyncset.done $0x0;
	(pc) =	sbr.rel @p0 .LBB2_4-.Ltmp1, $4  }
0x30: {  	s18 =	sadd.s32 $0x2710, s19;
	[sflag:s11] =	ssyncadd.s32 $0xFFFFEC00  }
0x31: {  	[spmem:s3] =	stream.indirect.scatter.add.f32 [tilespmem:s15], [sflag:$0x1], $0x40, s18, s14, $0xb8;
	[tilespmem:$0x104A0] =	vst v63  }
0x32: {  	_ =	swait.ge [sflag:s11], $0x1400  }
0x33: {  	s18 =	smov.u32 s20;
	[sflag:s11] =	ssyncset.done $0x0  }
0x34: {  	s17 =	sshra.s32 s17, $0x2;
	[sflag:s11] =	ssyncadd.s32 $0xFFFFEC00  }
0x35: {  	[tilespmem:s15], [sflag:$0x1] =	stream.indirect.gather [hbm4b:s1+s14], $0x40, s17, s14, $0xb8;
	[tilespmem:$0x104A0] =	vst v63  }
0x36: {  	_ =	swait.ge [sflag:s11], $0x1400  }
0x37: {  	[sflag:s11] =	ssyncset.done $0x0  }
0x38: {  	s17 =	sadd.s32 $0x2710, s17;
	[sflag:s11] =	ssyncadd.s32 $0xFFFFEC00  }
0x39: {  	[spmem:s3] =	stream.indirect.scatter.add.f32 [tilespmem:s15], [sflag:$0x1], $0x40, s17, s14, $0xb8;
	[tilespmem:$0x104A0] =	vst v63  }
0x3a: {  	_ =	swait.ge [sflag:s11], $0x1400  }
0x3b: {  	[sflag:s11] =	ssyncset.done $0x0  }
0x3c: {  	[sflag:s11] =	ssyncadd.s32 $0xFFFFEC00  }
0x3d: {  	[bflag:$0x0] =	sbarrier.arrive $0xFFFF  }
0x3e: {  	[tilespmem:s13], [sflag:$0x1] =	stream.linear.gather [spmem:s9], $0x640, $0x38;
	[tilespmem:$0x104A0] =	vst v63  }
0x3f: {  	_ =	swait.ge [sflag:s11], $0x640  }
0x40: {  	[sflag:s11] =	ssyncset.done $0x0  }
0x41: {  	s31 =	sadd.s32 $0x0, s10;
	[sflag:s11] =	ssyncadd.s32 $0xFFFFF9C0  }
0x42: {  	[hbm4b:s31+s4] =	stream.linear.scatter [tilespmem:s13], [sflag:$0x1], $0x640, $0x38;
	[tilespmem:$0x104A0] =	vst v63  }
0x43: {  	_ =	swait.ge [sflag:s11], $0x640  }
0x44: {  	s18 =	smov.u32 s9;
	s17 =	simm.s32 $0xC8;
	[sflag:s11] =	ssyncset.done $0x0  }
.LBB2_6:
0x45: {  	p0 =	sne.s32 s17, $0x12C0;
	[sflag:s11] =	ssyncadd.s32 $0xFFFFF9C0;
	s18 =	sadd.s32 $0x640, s18  }
0x46: {  	[tilespmem:s13], [sflag:$0x1] =	stream.linear.gather [spmem:s18], $0x640, $0x38;
	[tilespmem:$0x104A0] =	vst v63  }
0x47: {  	s19 =	smov.u32 s17;
	s17 =	sadd.s32 $0xC8, s17;
	_ =	swait.ge [sflag:s11], $0x640  }
.Ltmp2:
0x48: {  	[sflag:s11] =	ssyncset.done $0x0;
	(pc) =	sbr.rel @p0 .LBB2_6-.Ltmp2, $4  }
0x49: {  	s19 =	sadd.s32 s19, s10;
	[sflag:s11] =	ssyncadd.s32 $0xFFFFF9C0  }
0x4a: {  	[hbm4b:s19+s4] =	stream.linear.scatter [tilespmem:s13], [sflag:$0x1], $0x640, $0x38;
	[tilespmem:$0x104A0] =	vst v63  }
0x4b: {  	_ =	swait.ge [sflag:s11], $0x640  }
0x4c: {  	[sflag:s11] =	ssyncset.done $0x0  }
0x4d: {  	s16 =	sadd.s32 $0x1, s16  }
0x4e: {  	p0 =	sne.s32 s16, s8  }
.Ltmp3:
0x4f: {  	_ = 	snop;
	(pc) =	sbr.rel @p0 .LBB2_1-.Ltmp3, $2  }
0x50: {  	_ =	sdelay $0x2  }
0x51: {  	[sflag:s11] =	ssyncadd.s32 $0xFFFFF9C0  }
0x52: {  	_ =	sfence.sel $0x180000  }
0x53: {  	[bflag:$0x0] =	sbarrier.arrive $0xFFFF  }
0x54: {  	p0 =	sne.s32 s0, $0x0;
	_ =	strace $0x9000004A  }
0x55: {  	s0 =	sadd.s32 @!p0 $0x100000, s2;
	[bflag:$0x2] =	sbarrier.arrive $0xFFFF  }
0x56: {  	[sflag:s0] =	ssyncadd.tile.s32 @!p0 $0x1;
	_ =	shalt  }
.Lfunc_end2:
_tile_overlayer_lowered:
.L_overlay_start_2:
0x57: {  	(tag) =	ssettag $0x2  }
0x58: {  	s0 =	rddreg [dreg:$0x0];
	s2 =	stileid.u32  }
0x59: {  	s1 =	rddreg [dreg:$0x1];
	p0 =	sne.s32 s2, $0x0  }
0x5a: {  	s3 =	rddreg [dreg:$0x2];
	[bflag:$0x3] =	sbarrier.arrive $0xFFFF;
	s2 =	simm.s32 @!p0 $0x1C01  }
0x5b: {  	[timem:s3], [sflag:s2] =	dma.local @!p0 [hbm:s0], s1  }
0x5c: {  	s0 =	simm.s32 @!p0 $0x1  }
0x5d: {  	_ =	swait.ge @!p0 [sflag:s0], s1  }
0x5e: {  	s1 =	ssub.s32 @!p0 $0x0, s1;
	[sflag:s0] =	ssyncset.done @!p0 $0x0  }
0x5f: {  	[sflag:s0] =	ssyncadd.s32 @!p0 s1  }
0x60: {  	[bflag:$0x3] =	sbarrier.arrive $0xFFFF  }
0x61: {  	_ =	shalt  }

// kernel: kernel.7.cloned.1.call-start
scs
__scs_entry_jumppad:
0x0: {  	(pc) =	sbr.rel $0x88, $3  }
0x1: {  	(tag) =	ssettag $0x0;
	lr =	simm.s32 $0x1  }
0x2: {  	[smem:$0x3F99] =	sst lr;
	_ =	strace $0xD0000000  }
0x3: {  	_ = 	snop  }
0x4: {  	_ = 	snop  }
0x5: {  	_ = 	snop  }
0x6: {  	_ = 	snop  }
0x7: {  	_ = 	snop  }
__scs_overlays_trampoline_lowered:
0x8: {  	[smem:$0x3FA8] =	sst s0  }
0x9: {  	[smem:$0x3FA9] =	sst s1  }
0xa: {  	[smem:$0x3FAA] =	sst s2  }
0xb: {  	[smem:$0x3FAB] =	sst s3  }
0xc: {  	[smem:$0x3FAC] =	sst s4  }
0xd: {  	[smem:$0x3FAD] =	sst s5  }
0xe: {  	[smem:$0x3FAE] =	sst s6  }
0xf: {  	[smem:$0x3FAF] =	sst s7  }
0x10: {  	[smem:$0x3FB0] =	sst s8  }
0x11: {  	[smem:$0x3FB1] =	sst s9;
	s0 =	simm.s32 @!p0 $0x0  }
0x12: {  	s1 =	sld [smem:$0x3F97];
	s0 =	simm.s32 @p0 $0x1  }
0x13: {  	[smem:$0x3FB2] =	sst s0;
	s0 =	simm.s32 @!p1 $0x0  }
0x14: {  	s2 =	sld [smem:$0x3F96];
	s0 =	simm.s32 @p1 $0x1  }
0x15: {  	[smem:$0x3FB3] =	sst s0;
	s0 =	simm.s32 @!p2 $0x0  }
0x16: {  	s3 =	sld [smem:$0x3FDB];
	s0 =	simm.s32 @p2 $0x1  }
0x17: {  	s4 =	simm.s32 $0x1BF5;
	[smem:$0x3FB5] =	sst s0  }
0x18: {  	s0 =	sld [smem:$0x3F98];
	_ =	swait.ge [sflag:s4], $0x0  }
0x19: {  	s7 =	sld [smem:$0x3F99]  }
0x1a: {  	s8 =	sadd.s32 $0xFFFFE003, lr  }
0x1b: {  	s9 =	sadd.s32 $0xFFFFFEF7, lr;
	s5 =	simm.s32 $0xFFFFFFFF;
	p2 =	slt.u32 s8, $0xFFFFF086  }
0x1c: {  	p1 =	slt.u32 s9, $0xF7A;
	s5 =	simm.s32 @!p2 $0x0  }
0x1d: {  	s5 =	simm.s32 @p1 $0x1;
	p0 =	seq.s32 s7, s2  }
0x1e: {  	s7 =	smul.u32 @!p0 $0xF7A, s2;
	p2 =	seq.s32 @!p0 s5, $0x0  }
0x1f: {  	s9 =	smul.u32 $0xF7A, s1;
	s8 =	simm.s32 @!p0 $0x1BF5;
	p2 =	por !p2, p0  }
0x20: {  	[sflag:s8] =	ssyncset.s32 @!p0 $0xFFFFF086;
	s6 =	sadd.s32 @!p0 s3, s7;
	s7 =	simm.s32 @!p0 $0x108  }
0x21: {  	s3 =	sadd.s32 s3, s9;
	s6 =	sadd.s32 @!p0 $0x88, s6;
	s7 =	simm.s32 @p2 $0x1082  }
0x22: {  	[simem:s7], [sflag:s8] =	dma.local @!p0 [hbm:s6], $0xF7A  }
0x23: {  	s9 =	sor.u32 $0xD0000000, s2;
	s6 =	simm.s32 $0x108;
	_ =	swait.ge @!p0 [sflag:s8], $0x0  }
0x24: {  	s3 =	sadd.s32 $0x88, s3;
	s6 =	simm.s32 @!p1 $0x1082;
	[sflag:s4] =	ssyncset.s32 $0xFFFFF086  }
0x25: {  	[simem:s6], [sflag:s4] =	dma.local [hbm:s3], $0xF7A  }
0x26: {  	[smem:$0x3F99] =	sst s1;
	(tag) =	ssettag s2;
	_ =	strace s9  }
0x27: {  	s1 =	sld [smem:$0x3FA9]  }
0x28: {  	s2 =	sld [smem:$0x3FAA]  }
0x29: {  	s4 =	sld [smem:$0x3FAC]  }
0x2a: {  	p0 =	seq.s32 s5, $0x0;
	s5 =	sld [smem:$0x3FAD]  }
0x2b: {  	s6 =	sld [smem:$0x3FAE]  }
0x2c: {  	s7 =	sld [smem:$0x3FAF]  }
0x2d: {  	s3 =	simm.s32 $0x108;
	s8 =	sld [smem:$0x3FB0]  }
0x2e: {  	s3 =	simm.s32 @!p0 $0x1082;
	s9 =	sld [smem:$0x3FB1]  }
0x2f: {  	lr =	sadd.s32 s0, s3;
	s0 =	sld [smem:$0x3FA8]  }
0x30: {  	s3 =	sld [smem:$0x3FAB]  }
0x31: {  	[smem:$0x3FB4] =	sst s10  }
0x32: {  	s10 =	sld [smem:$0x3FB2];
	_ =	sdelay $0x3  }
0x33: {  	p0 =	seq.s32 s10, $0x1;
	s10 =	sld [smem:$0x3FB4];
	_ =	sdelay $0x3  }
0x34: {  	[smem:$0x3FB4] =	sst s10  }
0x35: {  	s10 =	sld [smem:$0x3FB3];
	_ =	sdelay $0x3  }
0x36: {  	p1 =	seq.s32 s10, $0x1;
	s10 =	sld [smem:$0x3FB4];
	_ =	sdelay $0x3  }
0x37: {  	[smem:$0x3FB4] =	sst s10  }
0x38: {  	s10 =	sld [smem:$0x3FB5]  }
0x39: {  	_ = 	snop;
	(pc) =	sbr.ind lr, $3  }
0x3a: {  	_ = 	snop  }
0x3b: {  	_ = 	snop  }
0x3c: {  	p2 =	seq.s32 s10, $0x1;
	s10 =	sld [smem:$0x3FB4]  }
0x3d: {  	_ =	shalt  }
0x3e: {  	_ =	shalt  }
0x3f: {  	_ =	shalt  }
0x40: {  	_ =	shalt  }
0x41: {  	_ =	shalt  }
0x42: {  	_ =	shalt  }
0x43: {  	_ =	shalt  }
0x44: {  	_ =	shalt  }
0x45: {  	_ =	shalt  }
0x46: {  	_ =	shalt  }
0x47: {  	_ =	shalt  }
0x48: {  	_ =	shalt  }
0x49: {  	_ =	shalt  }
0x4a: {  	_ =	shalt  }
0x4b: {  	_ =	shalt  }
0x4c: {  	_ =	shalt  }
0x4d: {  	_ =	shalt  }
0x4e: {  	_ =	shalt  }
0x4f: {  	_ =	shalt  }
0x50: {  	_ =	shalt  }
0x51: {  	_ =	shalt  }
0x52: {  	_ =	shalt  }
0x53: {  	_ =	shalt  }
0x54: {  	_ =	shalt  }
0x55: {  	_ =	shalt  }
0x56: {  	_ =	shalt  }
0x57: {  	_ =	shalt  }
0x58: {  	_ =	shalt  }
0x59: {  	_ =	shalt  }
0x5a: {  	_ =	shalt  }
0x5b: {  	_ =	shalt  }
0x5c: {  	_ =	shalt  }
0x5d: {  	_ =	shalt  }
0x5e: {  	_ =	shalt  }
0x5f: {  	_ =	shalt  }
0x60: {  	_ =	shalt  }
0x61: {  	_ =	shalt  }
0x62: {  	_ =	shalt  }
0x63: {  	_ =	shalt  }
0x64: {  	_ =	shalt  }
0x65: {  	_ =	shalt  }
0x66: {  	_ =	shalt  }
0x67: {  	_ =	shalt  }
0x68: {  	_ =	shalt  }
0x69: {  	_ =	shalt  }
0x6a: {  	_ =	shalt  }
0x6b: {  	_ =	shalt  }
0x6c: {  	_ =	shalt  }
0x6d: {  	_ =	shalt  }
0x6e: {  	_ =	shalt  }
0x6f: {  	_ =	shalt  }
0x70: {  	_ =	shalt  }
0x71: {  	_ =	shalt  }
0x72: {  	_ =	shalt  }
0x73: {  	_ =	shalt  }
0x74: {  	_ =	shalt  }
0x75: {  	_ =	shalt  }
0x76: {  	_ =	shalt  }
0x77: {  	_ =	shalt  }
0x78: {  	_ =	shalt  }
0x79: {  	_ =	shalt  }
0x7a: {  	_ =	shalt  }
0x7b: {  	_ =	shalt  }
0x7c: {  	_ =	shalt  }
0x7d: {  	_ =	shalt  }
0x7e: {  	_ =	shalt  }
0x7f: {  	_ =	shalt  }
0x80: {  	_ =	shalt  }
0x81: {  	_ =	shalt  }
0x82: {  	_ =	shalt  }
0x83: {  	_ =	shalt  }
0x84: {  	_ =	shalt  }
0x85: {  	_ =	shalt  }
0x86: {  	_ =	shalt  }
0x87: {  	_ =	shalt  }
.Lfunc_end0:
.L_simem_size_0:
called_computation_lowered:
.L_overlay_start_0:
0x88: {  	s2 =	sld [smem:$0x3FD9]  }
0x89: {  	s3 =	sld [smem:$0x3FFE];
	_ =	sdelay $0x1  }
0x8a: {  	s1 =	srdreg.scid  }
0x8b: {  	s0 =	sand.u32 $0x1, s1  }
0x8c: {  	s17 =	sshll.u32 s0, $0xA;
	s2 =	sadd.s32 s3, s2  }
0x8d: {  	s2 =	sadd.s32 s2, s17  }
0x8e: {  	[smem:$0x3FC0] =	sst s2  }
0x8f: {  	_ = 	snop  }
0x90: {  	s2 =	sld [smem:$0x3FD0];
	(tm) =	ssettm $0x1  }
0x91: {  	s18 =	sld [smem:$0x3FFB];
	_ =	sdelay $0x3  }
0x92: {  	_ =	strace s18  }
0x93: {  	s3 =	sld [smem:$0x3FFC];
	_ =	sdelay $0x3  }
0x94: {  	_ =	strace s3  }
0x95: {  	s3 =	sld [smem:$0x3FFD];
	_ =	sdelay $0x3  }
0x96: {  	_ =	strace s3  }
0x97: {  	_ =	strace $0x8FFFFFFF  }
0x98: {  	s19 =	sld [smem:$0x3FDB];
	_ =	sdelay $0x1  }
0x99: {  	s4 =	simm.s32 $_scs_section_size  }
0x9a: {  	s5 =	simm.s32 $_size__tile_overlayer_lowered;
	s6 =	simm.s32 $_tile_overlayer_lowered  }
0x9b: {  	s22 =	simm.s32 $0x1BFF;
	s21 =	sshll.u32 s6, $0x1;
	s3 =	sadd.s32 s4, s19  }
0x9c: {  	s7 =	simm.s32 $0x0;
	s20 =	sshll.u32 s5, $0x1;
	s5 =	sadd.s32 s21, s3  }
0x9d: {  	[timem:s7], [sflag:s22] =	dma.local [hbm:s5], s20  }
0x9e: {  	_ =	swait.ge [sflag:s22], s20  }
0x9f: {  	s4 =	ssub.s32 $0x0, s20;
	[sflag:s22] =	ssyncset.done $0x0  }
0xa0: {  	[sflag:s22] =	ssyncadd.s32 s4;
	_ =	sdelay $0x1  }
0xa1: {  	s23 =	simm.s32 $0x1B8B  }
0xa2: {  	_ =	swait.ge [sflag:s23], $0x1  }
0xa3: {  	[sflag:s23] =	ssyncset.done $0x0  }
0xa4: {  	s25 =	simm.s32 $0x1B8E;
	s24 =	sld [smem:$0x3FFE];
	[sflag:s23] =	ssyncadd.s32 $0xFFFFFFFF  }
0xa5: {  	s26 =	simm.s32 $execute0_lowered;
	[smem:$0x3FD2] =	sst s25  }
0xa6: {  	s5 =	sshll.u32 s26, $0x1;
	_ =	strace $0x80000046;
	[dreg:$0x1] =	wrdreg $0xFFFFFFFF  }
0xa7: {  	s28 =	simm.s32 $_size_execute0_lowered;
	s3 =	sadd.s32 s3, s5;
	[dreg:$0x0] =	wrdreg $0x0  }
0xa8: {  	s5 =	sshll.u32 s28, $0x1;
	[dreg:$0x2] =	wrdreg s3  }
0xa9: {  	[dreg:$0x3] =	wrdreg s5  }
0xaa: {  	[dreg:$0x4] =	wrdreg $0xC0  }
0xab: {  	_ =	task [dreg:s7], $0x5FFFF  }
0xac: {  	[dreg:$0x1] =	wrdreg $0xFFFFFFFF  }
0xad: {  	[dreg:$0x0] =	wrdreg $0x60  }
0xae: {  	[dreg:$0x2] =	wrdreg s24  }
0xaf: {  	[dreg:$0x3] =	wrdreg s2  }
0xb0: {  	[dreg:$0x4] =	wrdreg $0x82A00  }
0xb1: {  	[dreg:$0x5] =	wrdreg $0x1C1B00  }
0xb2: {  	[dreg:$0x6] =	wrdreg $0x9  }
0xb3: {  	_ =	task.clear_ibuf [dreg:s7], $0x7FFFF;
	_ =	strace $0x90000046  }
0xb4: {  	s29 =	simm.s32 $0x9;
	_ =	strace $0x80000048  }
0xb5: {  	_ =	swait.ge [sflag:s29], $0x1  }
0xb6: {  	[sflag:s29] =	ssyncadd.s32 $0xFFFFFFFF  }
0xb7: {  	_ =	strace $0x90000048  }
0xb8: {  	_ =	sfence  }
0xb9: {  	s30 =	sld [smem:$0x0];
	_ =	sdelay $0x2  }
0xba: {  	s31 =	sshll.u32 s1, $0xD;
	s1 =	sshrl.u32 s1, $0x2  }
0xbb: {  	s3 =	sand.u32 $0x4000, s31;
	s1 =	sadd.s32 s1, s30  }
0xbc: {  	s0 =	sor.u32 s3, s0;
	s1 =	sshll.u32 s1, $0x11  }
0xbd: {  	s0 =	sor.u32 s1, s0  }
0xbe: {  	s0 =	sadd.s32 $0x8F2B, s0  }
0xbf: {  	[sflag:s0] =	ssyncadd.remote.s32 $0x1  }
0xc0: {  	_ =	sfence.sel $0xFFFF  }
0xc1: {  	[dreg:$0x0] =	wrdreg $0xFFFFFFFF;
	(pc) =	sbr.abs _section_cstart, $3  }
0xc2: {  	[dreg:$0x1] =	wrdreg $0xFFFFFFFF  }
0xc3: {  	_ =	task.clear_ibuf [dreg:s7], $0x2FFFF;
	_ =	strace $0x9FFFFFFF  }
0xc4: {  	(tm) =	ssettm $0x7FFFFFFF  }
0xc5: {  	_ =	shalt  }
tec
execute0_lowered:
.L_overlay_start_1:
0x0: {  	(tag) =	ssettag $0x1  }
0x1: {  	s9 =	rddreg [dreg:$0x0]  }
0x2: {  	s14 =	rddreg [dreg:$0x1]  }
0x3: {  	s2 =	rddreg [dreg:$0x2]  }
0x4: {  	s0 =	srdreg.scid;
	s3 =	rddreg [dreg:$0x3]  }
0x5: {  	s4 =	simm.s32 $0x0;
	s19 =	simm.s32 $0x1BB20;
	s10 =	sand.u32 $0x1, s0  }
0x6: {  	s20 =	simm.s32 $0x1C020;
	s0 =	stileid.u32;
	s11 =	smul.u32 $0x138800, s10  }
0x7: {  	s21 =	simm.s32 $0x50;
	s22 =	simm.s32 $0x4E20;
	s12 =	smul.u32 $0x13880, s0  }
0x8: {  	s23 =	simm.s32 $0x0;
	[smem:$0x7FF] =	sst s4;
	s26 =	smul.u32 $0x27100, s10  }
0x9: {  	s7 =	sadd.s32 $0x3C800, s9;
	s8 =	sadd.s32 $0x3CA00, s9;
	s15 =	smul.u32 $0x9C40, s0  }
0xa: {  	s1 =	sshll.u32 s10, $0x4;
	s10 =	ssub.s32 $0x2, s10;
	s17 =	smul.u32 $0x2710, s0  }
0xb: {  	s18 =	smul.u32 $0x4E200, s0;
	s5 =	sor.u32 s0, s1;
	s1 =	rddreg [dreg:$0x4]  }
0xc: {  	_ =	strace $0x80000047;
	s28 =	sshrl.u32 s10, $0x1;
	s6 =	smul.u32 $0x4E2, s5  }
0xd: {  	s5 =	sadd.s32 $0x15400, s9;
	s11 =	sadd.s32 s12, s11;
	s29 =	ssub.s32 s10, s28  }
0xe: {  	s12 =	sadd.s32 s17, s26;
	s30 =	sshrl.u32 s15, $0x2;
	s31 =	sshrl.u32 s18, $0x2  }
0xf: {  	s18 =	simm.s32 $0x7620;
	s11 =	sshrl.u32 s11, $0x3;
	s17 =	sshrl.u32 s12, $0x3  }
0x10: {  	s12 =	sadd.s32 s30, s3;
	s13 =	sadd.s32 s6, s9;
	s6 =	sadd.s32 $0x3C600, s9  }
0x11: {  	s16 =	sadd.s32 s11, s9;
	s11 =	smax.u32 s29, $0x1;
	s14 =	sadd.s32 s17, s14  }
0x12: {  	s17 =	simm.s32 $0x2710;
	s9 =	sadd.s32 $0xB600, s13;
	s10 =	sadd.s32 $0x1800, s13  }
0x13: {  	s13 =	sadd.s32 s31, s2;
	s15 =	sadd.s32 $0x3CC00, s16;
	s16 =	simm.s32 $0x1  }
.LBB2_1:
0x14: {  	[tilespmem:s4], [sflag:$0x1] =	stream.linear.gather [hbm4b:s9+s4], $0x2710, $0x38;
	[tilespmem:$0x1E8C0] =	vst v63  }
0x15: {  	_ =	swait.ge [sflag:s16], $0x2710  }
0x16: {  	[sflag:s16] =	ssyncset.done $0x0  }
0x17: {  	[sflag:s16] =	ssyncadd.s32 $0xFFFFD8F0  }
0x18: {  	[tilespmem:s17], [sflag:$0x1] =	stream.linear.gather [hbm4b:s10+s4], $0x2710, $0x38;
	[tilespmem:$0x1E8C0] =	vst v63  }
0x19: {  	_ =	swait.ge [sflag:s16], $0x2710  }
0x1a: {  	[sflag:s16] =	ssyncset.done $0x0  }
0x1b: {  	[sflag:s16] =	ssyncadd.s32 $0xFFFFD8F0  }
0x1c: {  	[tilespmem:s18], [sflag:$0x1] =	stream.linear.gather [hbm4b:s6+s4], $0xC80, $0x38;
	[tilespmem:$0x1E8C0] =	vst v63  }
0x1d: {  	_ =	swait.ge [sflag:s16], $0xC80  }
0x1e: {  	[sflag:s16] =	ssyncset.done $0x0  }
0x1f: {  	[sflag:s16] =	ssyncadd.s32 $0xFFFFF380  }
0x20: {  	[tilespmem:s19], [sflag:$0x1] =	stream.linear.gather [hbm4b:s7+s4], $0x500, $0x38;
	[tilespmem:$0x1E8C0] =	vst v63  }
0x21: {  	_ =	swait.ge [sflag:s16], $0x500  }
0x22: {  	[sflag:s16] =	ssyncset.done $0x0  }
0x23: {  	[sflag:s16] =	ssyncadd.s32 $0xFFFFFB00  }
0x24: {  	[tilespmem:s20], [sflag:$0x1] =	stream.linear.gather [hbm4b:s8+s4], $0x190, $0x38;
	[tilespmem:$0x1E8C0] =	vst v63  }
0x25: {  	_ =	swait.ge [sflag:s16], $0x190  }
0x26: {  	[sflag:s16] =	ssyncset.done $0x0  }
0x27: {  	[sflag:s16] =	ssyncadd.s32 $0xFFFFFE70  }
0x28: {  	[spmem:s13] =	stream.linear.scatter [tilespmem:s18], [sflag:$0x1], $0xC80, $0x38;
	[tilespmem:$0x1E8C0] =	vst v63  }
0x29: {  	_ =	swait.ge [sflag:s16], $0xC80  }
0x2a: {  	[sflag:s16] =	ssyncset.done $0x0  }
0x2b: {  	s24 =	sadd.s32 $0x0, s12;
	[sflag:s16] =	ssyncadd.s32 $0xFFFFF380  }
0x2c: {  	[spmem:s24] =	stream.linear.scatter [tilespmem:s20], [sflag:$0x1], $0x190, $0x38;
	[tilespmem:$0x1E8C0] =	vst v63  }
0x2d: {  	_ =	swait.ge [sflag:s16], $0x190  }
0x2e: {  	s25 =	smov.u32 s13;
	s24 =	simm.s32 $0x640;
	[sflag:s16] =	ssyncset.done $0x0  }
.LBB2_2:
0x2f: {  	p0 =	sne.s32 s24, $0x9600;
	[sflag:s16] =	ssyncadd.s32 $0xFFFFFE70;
	s25 =	sadd.s32 $0xC80, s25  }
0x30: {  	[spmem:s25] =	stream.linear.scatter [tilespmem:s18], [sflag:$0x1], $0xC80, $0x38;
	[tilespmem:$0x1E8C0] =	vst v63  }
0x31: {  	s26 =	smov.u32 s24;
	s24 =	sadd.s32 $0x640, s24;
	_ =	swait.ge [sflag:s16], $0xC80  }
.Ltmp0:
0x32: {  	s26 =	sshra.s32 s26, $0x2;
	[sflag:s16] =	ssyncset.done $0x0;
	(pc) =	sbr.rel @p0 .LBB2_2-.Ltmp0, $4  }
0x33: {  	s26 =	sadd.s32 s26, s12;
	[sflag:s16] =	ssyncadd.s32 $0xFFFFF380  }
0x34: {  	[spmem:s26] =	stream.linear.scatter [tilespmem:s20], [sflag:$0x1], $0x190, $0x38;
	[tilespmem:$0x1E8C0] =	vst v63  }
0x35: {  	_ =	swait.ge [sflag:s16], $0x190  }
0x36: {  	[sflag:s16] =	ssyncset.done $0x0  }
0x37: {  	[sflag:s16] =	ssyncadd.s32 $0xFFFFFE70  }
0x38: {  	s24 =	simm.s32 $0x0;
	[bflag:$0x0] =	sbarrier.arrive $0xFFFF  }
0x39: {  	[tilespmem:s22], [sflag:$0x1] =	stream.indirect.gather [hbm4b:s5+s21], $0x80, s24, s21, $0xb8;
	[tilespmem:$0x1E8C0] =	vst v63  }
0x3a: {  	_ =	swait.ge [sflag:s16], $0x2800  }
0x3b: {  	[sflag:s16] =	ssyncset.done $0x0  }
0x3c: {  	s31 =	simm.s32 $0x2710;
	[sflag:s16] =	ssyncadd.s32 $0xFFFFD800  }
0x3d: {  	[spmem:s2] =	stream.indirect.scatter.add.f32 [tilespmem:s22], [sflag:$0x1], $0x80, s31, s21, $0xb8;
	[tilespmem:$0x1E8C0] =	vst v63  }
0x3e: {  	_ =	swait.ge [sflag:s16], $0x2800  }
0x3f: {  	[sflag:s16] =	ssyncset.done $0x0  }
0x40: {  	[sflag:s16] =	ssyncadd.s32 $0xFFFFD800  }
0x41: {  	[spmem:s3] =	stream.indirect.scatter.add.f32 [tilespmem:s19], [sflag:$0x1], $0x10, s31, s21, $0xb8;
	[tilespmem:$0x1E8C0] =	vst v63  }
0x42: {  	_ =	swait.ge [sflag:s16], $0x500  }
0x43: {  	s25 =	simm.s32 $0x280;
	s24 =	simm.s32 $0x140;
	[sflag:s16] =	ssyncset.done $0x0  }
.LBB2_4:
0x44: {  	s26 =	sshra.s32 s24, $0x2  }
0x45: {  	[sflag:s16] =	ssyncadd.s32 $0xFFFFFB00;
	s24 =	smov.u32 s25;
	s28 =	sadd.s32 $0x140, s25  }
0x46: {  	[tilespmem:s22], [sflag:$0x1] =	stream.indirect.gather [hbm4b:s5+s21], $0x80, s26, s21, $0xb8;
	[tilespmem:$0x1E8C0] =	vst v63  }
0x47: {  	p0 =	sne.s32 s25, $0x9B00;
	_ =	swait.ge [sflag:s16], $0x2800  }
0x48: {  	[sflag:s16] =	ssyncset.done $0x0  }
0x49: {  	s25 =	sadd.s32 $0x2710, s26;
	[sflag:s16] =	ssyncadd.s32 $0xFFFFD800  }
0x4a: {  	[spmem:s2] =	stream.indirect.scatter.add.f32 [tilespmem:s22], [sflag:$0x1], $0x80, s25, s21, $0xb8;
	[tilespmem:$0x1E8C0] =	vst v63  }
0x4b: {  	_ =	swait.ge [sflag:s16], $0x2800  }
.Ltmp1:
0x4c: {  	[sflag:s16] =	ssyncset.done $0x0;
	(pc) =	sbr.rel @p0 .LBB2_4-.Ltmp1, $4  }
0x4d: {  	[sflag:s16] =	ssyncadd.s32 $0xFFFFD800  }
0x4e: {  	[spmem:s3] =	stream.indirect.scatter.add.f32 [tilespmem:s19], [sflag:$0x1], $0x10, s25, s21, $0xb8;
	[tilespmem:$0x1E8C0] =	vst v63  }
0x4f: {  	_ =	swait.ge [sflag:s16], $0x500  }
0x50: {  	s25 =	smov.u32 s28;
	[sflag:s16] =	ssyncset.done $0x0  }
0x51: {  	s24 =	sshra.s32 s24, $0x2;
	[sflag:s16] =	ssyncadd.s32 $0xFFFFFB00  }
0x52: {  	[tilespmem:s22], [sflag:$0x1] =	stream.indirect.gather [hbm4b:s5+s21], $0x80, s24, s21, $0xb8;
	[tilespmem:$0x1E8C0] =	vst v63  }
0x53: {  	_ =	swait.ge [sflag:s16], $0x2800  }
0x54: {  	[sflag:s16] =	ssyncset.done $0x0  }
0x55: {  	s24 =	sadd.s32 $0x2710, s24;
	[sflag:s16] =	ssyncadd.s32 $0xFFFFD800  }
0x56: {  	[spmem:s2] =	stream.indirect.scatter.add.f32 [tilespmem:s22], [sflag:$0x1], $0x80, s24, s21, $0xb8;
	[tilespmem:$0x1E8C0] =	vst v63  }
0x57: {  	_ =	swait.ge [sflag:s16], $0x2800  }
0x58: {  	[sflag:s16] =	ssyncset.done $0x0  }
0x59: {  	[sflag:s16] =	ssyncadd.s32 $0xFFFFD800  }
0x5a: {  	[spmem:s3] =	stream.indirect.scatter.add.f32 [tilespmem:s19], [sflag:$0x1], $0x10, s24, s21, $0xb8;
	[tilespmem:$0x1E8C0] =	vst v63  }
0x5b: {  	_ =	swait.ge [sflag:s16], $0x500  }
0x5c: {  	[sflag:s16] =	ssyncset.done $0x0  }
0x5d: {  	[sflag:s16] =	ssyncadd.s32 $0xFFFFFB00  }
0x5e: {  	[bflag:$0x0] =	sbarrier.arrive $0xFFFF  }
0x5f: {  	[tilespmem:s18], [sflag:$0x1] =	stream.linear.gather [spmem:s13], $0xC80, $0x38;
	[tilespmem:$0x1E8C0] =	vst v63  }
0x60: {  	_ =	swait.ge [sflag:s16], $0xC80  }
0x61: {  	[sflag:s16] =	ssyncset.done $0x0  }
0x62: {  	[sflag:s16] =	ssyncadd.s32 $0xFFFFF380  }
0x63: {  	[hbm4b:s15+s4] =	stream.linear.scatter [tilespmem:s18], [sflag:$0x1], $0xC80, $0x38;
	[tilespmem:$0x1E8C0] =	vst v63  }
0x64: {  	_ =	swait.ge [sflag:s16], $0xC80  }
0x65: {  	[sflag:s16] =	ssyncset.done $0x0  }
0x66: {  	[sflag:s16] =	ssyncadd.s32 $0xFFFFF380  }
0x67: {  	[tilespmem:s20], [sflag:$0x1] =	stream.linear.gather [spmem:s12], $0x190, $0x38;
	[tilespmem:$0x1E8C0] =	vst v63  }
0x68: {  	_ =	swait.ge [sflag:s16], $0x190  }
0x69: {  	[sflag:s16] =	ssyncset.done $0x0  }
0x6a: {  	s31 =	sadd.s32 $0x0, s14;
	[sflag:s16] =	ssyncadd.s32 $0xFFFFFE70  }
0x6b: {  	[hbm4b:s31+s4] =	stream.linear.scatter [tilespmem:s20], [sflag:$0x1], $0x190, $0x38;
	[tilespmem:$0x1E8C0] =	vst v63  }
0x6c: {  	s25 =	sadd.s32 $0x190, s15;
	s26 =	smov.u32 s12;
	_ =	swait.ge [sflag:s16], $0x190  }
0x6d: {  	s28 =	smov.u32 s13;
	s24 =	simm.s32 $0x32;
	[sflag:s16] =	ssyncset.done $0x0  }
.LBB2_6:
0x6e: {  	[sflag:s16] =	ssyncadd.s32 $0xFFFFFE70  }
0x6f: {  	s26 =	sadd.s32 $0x190, s26;
	s28 =	sadd.s32 $0xC80, s28;
	s29 =	smov.u32 s24  }
0x70: {  	[tilespmem:s18], [sflag:$0x1] =	stream.linear.gather [spmem:s28], $0xC80, $0x38;
	[tilespmem:$0x1E8C0] =	vst v63  }
0x71: {  	p0 =	sne.s32 s24, $0x4B0;
	s24 =	sadd.s32 $0x32, s24;
	_ =	swait.ge [sflag:s16], $0xC80  }
0x72: {  	[sflag:s16] =	ssyncset.done $0x0  }
0x73: {  	[sflag:s16] =	ssyncadd.s32 $0xFFFFF380  }
0x74: {  	[hbm4b:s25+s4] =	stream.linear.scatter [tilespmem:s18], [sflag:$0x1], $0xC80, $0x38;
	[tilespmem:$0x1E8C0] =	vst v63  }
0x75: {  	_ =	swait.ge [sflag:s16], $0xC80  }
0x76: {  	[sflag:s16] =	ssyncset.done $0x0  }
0x77: {  	[sflag:s16] =	ssyncadd.s32 $0xFFFFF380  }
0x78: {  	[tilespmem:s20], [sflag:$0x1] =	stream.linear.gather [spmem:s26], $0x190, $0x38;
	[tilespmem:$0x1E8C0] =	vst v63  }
0x79: {  	_ =	swait.ge [sflag:s16], $0x190  }
.Ltmp2:
0x7a: {  	[sflag:s16] =	ssyncset.done $0x0;
	(pc) =	sbr.rel @p0 .LBB2_6-.Ltmp2, $4  }
0x7b: {  	s29 =	sadd.s32 s29, s14;
	[sflag:s16] =	ssyncadd.s32 $0xFFFFFE70  }
0x7c: {  	[hbm4b:s29+s4] =	stream.linear.scatter [tilespmem:s20], [sflag:$0x1], $0x190, $0x38;
	[tilespmem:$0x1E8C0] =	vst v63  }
0x7d: {  	_ =	swait.ge [sflag:s16], $0x190  }
0x7e: {  	s25 =	sadd.s32 $0x190, s25;
	[sflag:s16] =	ssyncset.done $0x0  }
0x7f: {  	s23 =	sadd.s32 $0x1, s23  }
0x80: {  	p0 =	sne.s32 s23, s11  }
.Ltmp3:
0x81: {  	_ = 	snop;
	(pc) =	sbr.rel @p0 .LBB2_1-.Ltmp3, $2  }
0x82: {  	_ =	sdelay $0x2  }
0x83: {  	[sflag:s16] =	ssyncadd.s32 $0xFFFFFE70  }
0x84: {  	_ =	sfence.sel $0x180000  }
0x85: {  	[bflag:$0x0] =	sbarrier.arrive $0xFFFF  }
0x86: {  	p0 =	sne.s32 s0, $0x0;
	_ =	strace $0x90000047  }
0x87: {  	s0 =	sadd.s32 @!p0 $0x100000, s1;
	[bflag:$0x2] =	sbarrier.arrive $0xFFFF  }
0x88: {  	[sflag:s0] =	ssyncadd.tile.s32 @!p0 $0x1;
	_ =	shalt  }
.Lfunc_end2:
_tile_overlayer_lowered:
.L_overlay_start_2:
0x89: {  	(tag) =	ssettag $0x2  }
0x8a: {  	s0 =	rddreg [dreg:$0x0];
	s2 =	stileid.u32  }
0x8b: {  	s1 =	rddreg [dreg:$0x1];
	p0 =	sne.s32 s2, $0x0  }
0x8c: {  	s3 =	rddreg [dreg:$0x2];
	[bflag:$0x3] =	sbarrier.arrive $0xFFFF;
	s2 =	simm.s32 @!p0 $0x1C01  }
0x8d: {  	[timem:s3], [sflag:s2] =	dma.local @!p0 [hbm:s0], s1  }
0x8e: {  	s0 =	simm.s32 @!p0 $0x1  }
0x8f: {  	_ =	swait.ge @!p0 [sflag:s0], s1  }
0x90: {  	s1 =	ssub.s32 @!p0 $0x0, s1;
	[sflag:s0] =	ssyncset.done @!p0 $0x0  }
0x91: {  	[sflag:s0] =	ssyncadd.s32 @!p0 s1  }
0x92: {  	[bflag:$0x3] =	sbarrier.arrive $0xFFFF  }
0x93: {  	_ =	shalt  }

</sc_bundles>
